<compile_context>
chip_gen: v7x
topology: tpu7x:2x2x1
jax: 0.10.2.dev20260603
libtpu: 0.0.44.dev20260713+nightly
codegen_flags: <defaults>
</compile_context>

<pallas_src>
import functools

import jax
import jax.numpy as jnp
from jax import lax
from jax.experimental import pallas as pl
from jax.experimental.pallas import tpu as pltpu
from jax.experimental.pallas import tpu_sc as plsc

N_CLS = 1000
N_CTX = 16
CTX_DIM = 512
N_PROMPTS = 32
SEQ = 77
B = 4096
SUFFIX_LEN = SEQ - 1 - N_CTX

_info = plsc.get_sparse_core_info()
_NC = _info.num_cores
_NS = _info.num_subcores
_NW = _NC * _NS
_BPW = B // _NW
_GRP = 16
_NGRP = _BPW // _GRP

_mesh = plsc.VectorSubcoreMesh(core_axis_name="c", subcore_axis_name="s")


@functools.partial(
    pl.kernel,
    mesh=_mesh,
    out_type=jax.ShapeDtypeStruct((B, SEQ, CTX_DIM), jnp.float32),
    scratch_types=[
        pltpu.VMEM((_BPW,), jnp.int32),
        pltpu.VMEM((_BPW,), jnp.int32),
        pltpu.SemaphoreType.DMA,
    ],
    compiler_params=pltpu.CompilerParams(use_tc_tiling_on_sc=False,
                                         needs_layout_passes=False),
)
def _sc_concat_gather(ctx_hbm, prefix_hbm, suffix_hbm, labels_hbm, match_hbm,
                      out_hbm, labels_v, match_v, sem):
    wid = lax.axis_index("s") * _NC + lax.axis_index("c")
    base = wid * _BPW
    pltpu.sync_copy(labels_hbm.at[pl.ds(base, _BPW)], labels_v)
    pltpu.sync_copy(match_hbm.at[pl.ds(base, _BPW)], match_v)
    lane_ids = lax.iota(jnp.int32, 16)

    def group(g):
        start = pl.multiple_of(g * _GRP, _GRP)
        lvec = labels_v[pl.ds(start, _GRP)]
        mvec = match_v[pl.ds(start, _GRP)]
        for lane in range(_GRP):
            lbl = jnp.sum(jnp.where(lane_ids == lane, lvec, 0))
            mid = jnp.sum(jnp.where(lane_ids == lane, mvec, 0))
            row = out_hbm.at[pl.ds(base + g * _GRP + lane, 1)]
            pltpu.async_copy(prefix_hbm.at[pl.ds(lbl, 1)],
                             row.at[:, pl.ds(0, 1)], sem)
            pltpu.async_copy(ctx_hbm.at[pl.ds(mid, 1)],
                             row.at[:, pl.ds(1, N_CTX)], sem)
            pltpu.async_copy(suffix_hbm.at[pl.ds(lbl, 1)],
                             row.at[:, pl.ds(1 + N_CTX, SUFFIX_LEN)], sem)

    pl.loop(0, _NGRP)(group)

    chunk = out_hbm.at[pl.ds(base, _BPW)]
    pltpu.make_async_copy(chunk, chunk, sem).wait()


def kernel(ctx, token_prefix, token_suffix, labels, match_ids):
    return _sc_concat_gather(ctx, token_prefix, token_suffix,
                             labels.astype(jnp.int32),
                             match_ids.astype(jnp.int32))

# --- scband reference (transcript-rebuilt; emitter-appended) ---
"""Pipeline reference for scband-vlprompt-learner-72103910965410 (READ-ONLY COPY).

The authoritative reference and input builder live on the scoring server;
editing this copy changes nothing except your own understanding.
"""

import jax, jax.numpy as jnp
import numpy as np

N_CLS = 1000
N_CTX = 16
CTX_DIM = 512
N_PROMPTS = 32
SEQ = 77
B = 4096
SUFFIX_LEN = SEQ - 1 - N_CTX  # 60

def setup_inputs(seed: int = 0) -> dict:
    key = jax.random.key(seed)
    k1, k2, k3, k4, k5 = jax.random.split(key, 5)
    ctx = jax.random.normal(k1, (N_PROMPTS, N_CTX, CTX_DIM), dtype=jnp.float32) * 0.02
    token_prefix = jax.random.normal(k2, (N_CLS, 1, CTX_DIM), dtype=jnp.float32)
    token_suffix = jax.random.normal(k3, (N_CLS, SUFFIX_LEN, CTX_DIM), dtype=jnp.float32)
    labels = jax.random.randint(k4, (B,), 0, N_CLS, dtype=jnp.int64 if jax.config.jax_enable_x64 else jnp.int32)
    match_ids = jax.random.randint(k5, (B,), 0, N_PROMPTS, dtype=jnp.int64 if jax.config.jax_enable_x64 else jnp.int32)
    return {
        "ctx": ctx,
        "token_prefix": token_prefix,
        "token_suffix": token_suffix,
        "labels": labels,
        "match_ids": match_ids,
    }

def reference(ctx, token_prefix, token_suffix, labels, match_ids):
    # construct_reg_prompts: prefix[labels], suffix[labels], ctx[match_ids], concat along seq dim
    prefix = jnp.take(token_prefix, labels, axis=0)      # [B, 1, ctx_dim]
    suffix = jnp.take(token_suffix, labels, axis=0)      # [B, suffix_len, ctx_dim]
    ctx_sel = jnp.take(ctx, match_ids, axis=0)           # [B, n_ctx, ctx_dim]
    prompts = jnp.concatenate([prefix, ctx_sel, suffix], axis=1)  # [B, 77, ctx_dim]
    return prompts

if __name__ == "__main__":
    import jax
    _d = setup_inputs()
    print(jax.jit(kernel)(*tuple(_d.values())))

</pallas_src>

<mosaic_0001>
#map = affine_map<(d0, d1) -> (0, 0, 0)>
#map1 = affine_map<(d0, d1) -> (0)>
module attributes {stable_mosaic.version = 14 : i64} {
  func.func @_sc_concat_gather(%arg0: i32, %arg1: i32, %arg2: memref<32x16x512xf32, #tpu.memory_space<hbm>>, %arg3: memref<1000x1x512xf32, #tpu.memory_space<hbm>>, %arg4: memref<1000x60x512xf32, #tpu.memory_space<hbm>>, %arg5: memref<4096xi32, #tpu.memory_space<hbm>>, %arg6: memref<4096xi32, #tpu.memory_space<hbm>>, %arg7: memref<4096x77x512xf32, #tpu.memory_space<hbm>>, %arg8: memref<128xi32, #tpu.memory_space<vmem>>, %arg9: memref<128xi32, #tpu.memory_space<vmem>>, %arg10: memref<!tpu.dma_semaphore, #tpu.memory_space<semaphore_mem>>) attributes {dimension_semantics = [#tpu.dimension_semantics<core_parallel>, #tpu.dimension_semantics<subcore_parallel>], iteration_bounds = array<i64: 2, 16>, scalar_prefetch = 0 : i64, scratch_operands = 3 : i64, tpu.core_type = #tpu.core_type<sc_vector_subcore>, window_params = [{transform_indices = #map}, {transform_indices = #map}, {transform_indices = #map}, {transform_indices = #map1}, {transform_indices = #map1}, {transform_indices = #map}]} {
    %mul3A = arith.constant 2 : i32
    %mul3A_0 = arith.muli %arg1, %mul3A : i32
    %add3A = arith.addi %mul3A_0, %arg0 : i32
    %mul3A_1 = arith.constant 128 : i32
    %mul3A_2 = arith.muli %add3A, %mul3A_1 : i32
    "tpu.region"() ({
      %run_scoped3A = tpu.sem_alloc : memref<!tpu.dma_semaphore, #tpu.memory_space<semaphore_mem>>
      %dma_start3A = tpu.memref_slice %arg5[%mul3A_2] : memref<4096xi32, #tpu.memory_space<hbm>> -> memref<128xi32, #tpu.memory_space<hbm>>
      %dma_start3A_12 = tpu.memref_slice %arg5[%mul3A_2] : memref<4096xi32, #tpu.memory_space<hbm>> -> memref<128xi32, #tpu.memory_space<hbm>>
      tpu.enqueue_dma source(%dma_start3A_12 : memref<128xi32, #tpu.memory_space<hbm>>) target(%arg8 : memref<128xi32, #tpu.memory_space<vmem>>) target_semaphore(%run_scoped3A : memref<!tpu.dma_semaphore, #tpu.memory_space<semaphore_mem>>)
      %dma_wait3A_13 = tpu.memref_slice %arg5[%mul3A_2] : memref<4096xi32, #tpu.memory_space<hbm>> -> memref<128xi32, #tpu.memory_space<hbm>>
      %dma_wait3A_14 = tpu.memref_slice %arg5[%mul3A_2] : memref<4096xi32, #tpu.memory_space<hbm>> -> memref<128xi32, #tpu.memory_space<hbm>>
      tpu.wait_dma2 semaphore(%run_scoped3A : memref<!tpu.dma_semaphore, #tpu.memory_space<semaphore_mem>>) src(%dma_wait3A_14 : memref<128xi32, #tpu.memory_space<hbm>>) dst(%arg8 : memref<128xi32, #tpu.memory_space<vmem>>)
      tpu.yield
    }) : () -> ()
    "tpu.region"() ({
      %run_scoped3A = tpu.sem_alloc : memref<!tpu.dma_semaphore, #tpu.memory_space<semaphore_mem>>
      %dma_start3A = tpu.memref_slice %arg6[%mul3A_2] : memref<4096xi32, #tpu.memory_space<hbm>> -> memref<128xi32, #tpu.memory_space<hbm>>
      %dma_start3A_12 = tpu.memref_slice %arg6[%mul3A_2] : memref<4096xi32, #tpu.memory_space<hbm>> -> memref<128xi32, #tpu.memory_space<hbm>>
      tpu.enqueue_dma source(%dma_start3A_12 : memref<128xi32, #tpu.memory_space<hbm>>) target(%arg9 : memref<128xi32, #tpu.memory_space<vmem>>) target_semaphore(%run_scoped3A : memref<!tpu.dma_semaphore, #tpu.memory_space<semaphore_mem>>)
      %dma_wait3A_13 = tpu.memref_slice %arg6[%mul3A_2] : memref<4096xi32, #tpu.memory_space<hbm>> -> memref<128xi32, #tpu.memory_space<hbm>>
      %dma_wait3A_14 = tpu.memref_slice %arg6[%mul3A_2] : memref<4096xi32, #tpu.memory_space<hbm>> -> memref<128xi32, #tpu.memory_space<hbm>>
      tpu.wait_dma2 semaphore(%run_scoped3A : memref<!tpu.dma_semaphore, #tpu.memory_space<semaphore_mem>>) src(%dma_wait3A_14 : memref<128xi32, #tpu.memory_space<hbm>>) dst(%arg9 : memref<128xi32, #tpu.memory_space<vmem>>)
      tpu.yield
    }) : () -> ()
    %iota3A = tpu.iota {dimensions = array<i32: 0>} : vector<16xi32>
    %scan3A = arith.constant 0 : i32
    %scan3A_3 = arith.constant 8 : i32
    %scan3A_4 = arith.addi %scan3A, %scan3A_3 : i32
    %scan3A_5 = arith.constant 1 : i32
    scf.for %scan3A_12 = %scan3A to %scan3A_4 step %scan3A_5  : i32 {
      %mul3A_13 = arith.constant 1 : i32
      %mul3A_14 = arith.muli %scan3A_12, %mul3A_13 : i32
      %add3A_15 = arith.constant 0 : i32
      %add3A_16 = arith.addi %add3A_15, %mul3A_14 : i32
      %mul3A_17 = arith.constant 16 : i32
      %mul3A_18 = arith.muli %add3A_16, %mul3A_17 : i32
      %multiple_of3A = tpu.assume_multiple %mul3A_18, 16 : i32
      %get3A = arith.index_cast %multiple_of3A : i32 to index
      %get3A_19 = tpu.vector_load %arg8[%get3A] {strides = array<i32>} : memref<128xi32, #tpu.memory_space<vmem>>, vector<16xi32>,
      %get3A_20 = arith.index_cast %multiple_of3A : i32 to index
      %get3A_21 = tpu.vector_load %arg9[%get3A_20] {strides = array<i32>} : memref<128xi32, #tpu.memory_space<vmem>>, vector<16xi32>,
      %eq3A = arith.constant 0 : i32
      %eq3A_22 = vector.broadcast %eq3A : i32 to vector<16xi32>
      %eq3A_23 = arith.cmpi eq, %iota3A, %eq3A_22 : vector<16xi32>
      %jit3A = arith.constant 0 : i32
      %broadcast_in_dim3A = vector.broadcast %jit3A : i32 to vector<16xi32>
      %select_n3A = arith.select %eq3A_23, %get3A_19, %broadcast_in_dim3A : vector<16xi1>, vector<16xi32>
      %reduce_sum3A = arith.constant true
      %reduce_sum3A_24 = vector.broadcast %reduce_sum3A : i1 to vector<16xi1>
      %reduce_sum3A_25 = tpu.scan <sum>, %select_n3A masked %reduce_sum3A_24 : vector<16xi32>, vector<16xi1> -> vector<16xi32>
      %reduce_sum3A_26 = vector.extract %reduce_sum3A_25[15] : i32 from vector<16xi32>
      %eq3A_27 = arith.constant 0 : i32
      %eq3A_28 = vector.broadcast %eq3A_27 : i32 to vector<16xi32>
      %eq3A_29 = arith.cmpi eq, %iota3A, %eq3A_28 : vector<16xi32>
      %jit3A_30 = arith.constant 0 : i32
      %broadcast_in_dim3A_31 = vector.broadcast %jit3A_30 : i32 to vector<16xi32>
      %select_n3A_32 = arith.select %eq3A_29, %get3A_21, %broadcast_in_dim3A_31 : vector<16xi1>, vector<16xi32>
      %reduce_sum3A_33 = arith.constant true
      %reduce_sum3A_34 = vector.broadcast %reduce_sum3A_33 : i1 to vector<16xi1>
      %reduce_sum3A_35 = tpu.scan <sum>, %select_n3A_32 masked %reduce_sum3A_34 : vector<16xi32>, vector<16xi1> -> vector<16xi32>
      %reduce_sum3A_36 = vector.extract %reduce_sum3A_35[15] : i32 from vector<16xi32>
      %mul3A_37 = arith.constant 16 : i32
      %mul3A_38 = arith.muli %add3A_16, %mul3A_37 : i32
      %add3A_39 = arith.addi %mul3A_2, %mul3A_38 : i32
      %add3A_40 = arith.constant 0 : i32
      %add3A_41 = arith.addi %add3A_39, %add3A_40 : i32
      %dma_start3A = arith.constant 0 : i32
      %dma_start3A_42 = arith.constant 0 : i32
      %dma_start3A_43 = tpu.memref_slice %arg7[%add3A_41, %dma_start3A, %dma_start3A_42] : memref<4096x77x512xf32, #tpu.memory_space<hbm>> -> memref<1x77x512xf32, #tpu.memory_space<hbm>>
      %dma_start3A_44 = arith.constant 0 : i32
      %dma_start3A_45 = arith.constant 0 : i32
      %dma_start3A_46 = arith.constant 0 : i32
      %dma_start3A_47 = tpu.memref_slice %dma_start3A_43[%dma_start3A_44, %dma_start3A_45, %dma_start3A_46] : memref<1x77x512xf32, #tpu.memory_space<hbm>> -> memref<1x1x512xf32, #tpu.memory_space<hbm>>
      %dma_start3A_48 = arith.constant 0 : i32
      %dma_start3A_49 = arith.constant 0 : i32
      %dma_start3A_50 = tpu.memref_slice %arg3[%reduce_sum3A_26, %dma_start3A_48, %dma_start3A_49] : memref<1000x1x512xf32, #tpu.memory_space<hbm>> -> memref<1x1x512xf32, #tpu.memory_space<hbm>>
      tpu.enqueue_dma source(%dma_start3A_50 : memref<1x1x512xf32, #tpu.memory_space<hbm>>) target(%dma_start3A_47 : memref<1x1x512xf32, #tpu.memory_space<hbm>>) target_semaphore(%arg10 : memref<!tpu.dma_semaphore, #tpu.memory_space<semaphore_mem>>)
      %dma_start3A_51 = arith.constant 0 : i32
      %dma_start3A_52 = arith.constant 0 : i32
      %dma_start3A_53 = tpu.memref_slice %arg7[%add3A_41, %dma_start3A_51, %dma_start3A_52] : memref<4096x77x512xf32, #tpu.memory_space<hbm>> -> memref<1x77x512xf32, #tpu.memory_space<hbm>>
      %dma_start3A_54 = arith.constant 0 : i32
      %dma_start3A_55 = arith.constant 1 : i32
      %dma_start3A_56 = arith.constant 0 : i32
      %dma_start3A_57 = tpu.memref_slice %dma_start3A_53[%dma_start3A_54, %dma_start3A_55, %dma_start3A_56] : memref<1x77x512xf32, #tpu.memory_space<hbm>> -> memref<1x16x512xf32, #tpu.memory_space<hbm>>
      %dma_start3A_58 = arith.constant 0 : i32
      %dma_start3A_59 = arith.constant 0 : i32
      %dma_start3A_60 = tpu.memref_slice %arg2[%reduce_sum3A_36, %dma_start3A_58, %dma_start3A_59] : memref<32x16x512xf32, #tpu.memory_space<hbm>> -> memref<1x16x512xf32, #tpu.memory_space<hbm>>
      tpu.enqueue_dma source(%dma_start3A_60 : memref<1x16x512xf32, #tpu.memory_space<hbm>>) target(%dma_start3A_57 : memref<1x16x512xf32, #tpu.memory_space<hbm>>) target_semaphore(%arg10 : memref<!tpu.dma_semaphore, #tpu.memory_space<semaphore_mem>>)
      %dma_start3A_61 = arith.constant 0 : i32
      %dma_start3A_62 = arith.constant 0 : i32
      %dma_start3A_63 = tpu.memref_slice %arg7[%add3A_41, %dma_start3A_61, %dma_start3A_62] : memref<4096x77x512xf32, #tpu.memory_space<hbm>> -> memref<1x77x512xf32, #tpu.memory_space<hbm>>
      %dma_start3A_64 = arith.constant 0 : i32
      %dma_start3A_65 = arith.constant 17 : i32
      %dma_start3A_66 = arith.constant 0 : i32
      %dma_start3A_67 = tpu.memref_slice %dma_start3A_63[%dma_start3A_64, %dma_start3A_65, %dma_start3A_66] : memref<1x77x512xf32, #tpu.memory_space<hbm>> -> memref<1x60x512xf32, #tpu.memory_space<hbm>>
      %dma_start3A_68 = arith.constant 0 : i32
      %dma_start3A_69 = arith.constant 0 : i32
      %dma_start3A_70 = tpu.memref_slice %arg4[%reduce_sum3A_26, %dma_start3A_68, %dma_start3A_69] : memref<1000x60x512xf32, #tpu.memory_space<hbm>> -> memref<1x60x512xf32, #tpu.memory_space<hbm>>
      tpu.enqueue_dma source(%dma_start3A_70 : memref<1x60x512xf32, #tpu.memory_space<hbm>>) target(%dma_start3A_67 : memref<1x60x512xf32, #tpu.memory_space<hbm>>) target_semaphore(%arg10 : memref<!tpu.dma_semaphore, #tpu.memory_space<semaphore_mem>>)
      %eq3A_71 = arith.constant 1 : i32
      %eq3A_72 = vector.broadcast %eq3A_71 : i32 to vector<16xi32>
      %eq3A_73 = arith.cmpi eq, %iota3A, %eq3A_72 : vector<16xi32>
      %jit3A_74 = arith.constant 0 : i32
      %broadcast_in_dim3A_75 = vector.broadcast %jit3A_74 : i32 to vector<16xi32>
      %select_n3A_76 = arith.select %eq3A_73, %get3A_19, %broadcast_in_dim3A_75 : vector<16xi1>, vector<16xi32>
      %reduce_sum3A_77 = arith.constant true
      %reduce_sum3A_78 = vector.broadcast %reduce_sum3A_77 : i1 to vector<16xi1>
      %reduce_sum3A_79 = tpu.scan <sum>, %select_n3A_76 masked %reduce_sum3A_78 : vector<16xi32>, vector<16xi1> -> vector<16xi32>
      %reduce_sum3A_80 = vector.extract %reduce_sum3A_79[15] : i32 from vector<16xi32>
      %eq3A_81 = arith.constant 1 : i32
      %eq3A_82 = vector.broadcast %eq3A_81 : i32 to vector<16xi32>
      %eq3A_83 = arith.cmpi eq, %iota3A, %eq3A_82 : vector<16xi32>
      %jit3A_84 = arith.constant 0 : i32
      %broadcast_in_dim3A_85 = vector.broadcast %jit3A_84 : i32 to vector<16xi32>
      %select_n3A_86 = arith.select %eq3A_83, %get3A_21, %broadcast_in_dim3A_85 : vector<16xi1>, vector<16xi32>
      %reduce_sum3A_87 = arith.constant true
      %reduce_sum3A_88 = vector.broadcast %reduce_sum3A_87 : i1 to vector<16xi1>
      %reduce_sum3A_89 = tpu.scan <sum>, %select_n3A_86 masked %reduce_sum3A_88 : vector<16xi32>, vector<16xi1> -> vector<16xi32>
      %reduce_sum3A_90 = vector.extract %reduce_sum3A_89[15] : i32 from vector<16xi32>
      %mul3A_91 = arith.constant 16 : i32
      %mul3A_92 = arith.muli %add3A_16, %mul3A_91 : i32
      %add3A_93 = arith.addi %mul3A_2, %mul3A_92 : i32
      %add3A_94 = arith.constant 1 : i32
      %add3A_95 = arith.addi %add3A_93, %add3A_94 : i32
      %dma_start3A_96 = arith.constant 0 : i32
      %dma_start3A_97 = arith.constant 0 : i32
      %dma_start3A_98 = tpu.memref_slice %arg7[%add3A_95, %dma_start3A_96, %dma_start3A_97] : memref<4096x77x512xf32, #tpu.memory_space<hbm>> -> memref<1x77x512xf32, #tpu.memory_space<hbm>>
      %dma_start3A_99 = arith.constant 0 : i32
      %dma_start3A_100 = arith.constant 0 : i32
      %dma_start3A_101 = arith.constant 0 : i32
      %dma_start3A_102 = tpu.memref_slice %dma_start3A_98[%dma_start3A_99, %dma_start3A_100, %dma_start3A_101] : memref<1x77x512xf32, #tpu.memory_space<hbm>> -> memref<1x1x512xf32, #tpu.memory_space<hbm>>
      %dma_start3A_103 = arith.constant 0 : i32
      %dma_start3A_104 = arith.constant 0 : i32
      %dma_start3A_105 = tpu.memref_slice %arg3[%reduce_sum3A_80, %dma_start3A_103, %dma_start3A_104] : memref<1000x1x512xf32, #tpu.memory_space<hbm>> -> memref<1x1x512xf32, #tpu.memory_space<hbm>>
      tpu.enqueue_dma source(%dma_start3A_105 : memref<1x1x512xf32, #tpu.memory_space<hbm>>) target(%dma_start3A_102 : memref<1x1x512xf32, #tpu.memory_space<hbm>>) target_semaphore(%arg10 : memref<!tpu.dma_semaphore, #tpu.memory_space<semaphore_mem>>)
      %dma_start3A_106 = arith.constant 0 : i32
      %dma_start3A_107 = arith.constant 0 : i32
      %dma_start3A_108 = tpu.memref_slice %arg7[%add3A_95, %dma_start3A_106, %dma_start3A_107] : memref<4096x77x512xf32, #tpu.memory_space<hbm>> -> memref<1x77x512xf32, #tpu.memory_space<hbm>>
      %dma_start3A_109 = arith.constant 0 : i32
      %dma_start3A_110 = arith.constant 1 : i32
      %dma_start3A_111 = arith.constant 0 : i32
      %dma_start3A_112 = tpu.memref_slice %dma_start3A_108[%dma_start3A_109, %dma_start3A_110, %dma_start3A_111] : memref<1x77x512xf32, #tpu.memory_space<hbm>> -> memref<1x16x512xf32, #tpu.memory_space<hbm>>
      %dma_start3A_113 = arith.constant 0 : i32
      %dma_start3A_114 = arith.constant 0 : i32
      %dma_start3A_115 = tpu.memref_slice %arg2[%reduce_sum3A_90, %dma_start3A_113, %dma_start3A_114] : memref<32x16x512xf32, #tpu.memory_space<hbm>> -> memref<1x16x512xf32, #tpu.memory_space<hbm>>
      tpu.enqueue_dma source(%dma_start3A_115 : memref<1x16x512xf32, #tpu.memory_space<hbm>>) target(%dma_start3A_112 : memref<1x16x512xf32, #tpu.memory_space<hbm>>) target_semaphore(%arg10 : memref<!tpu.dma_semaphore, #tpu.memory_space<semaphore_mem>>)
      %dma_start3A_116 = arith.constant 0 : i32
      %dma_start3A_117 = arith.constant 0 : i32
      %dma_start3A_118 = tpu.memref_slice %arg7[%add3A_95, %dma_start3A_116, %dma_start3A_117] : memref<4096x77x512xf32, #tpu.memory_space<hbm>> -> memref<1x77x512xf32, #tpu.memory_space<hbm>>
      %dma_start3A_119 = arith.constant 0 : i32
      %dma_start3A_120 = arith.constant 17 : i32
      %dma_start3A_121 = arith.constant 0 : i32
      %dma_start3A_122 = tpu.memref_slice %dma_start3A_118[%dma_start3A_119, %dma_start3A_120, %dma_start3A_121] : memref<1x77x512xf32, #tpu.memory_space<hbm>> -> memref<1x60x512xf32, #tpu.memory_space<hbm>>
      %dma_start3A_123 = arith.constant 0 : i32
      %dma_start3A_124 = arith.constant 0 : i32
      %dma_start3A_125 = tpu.memref_slice %arg4[%reduce_sum3A_80, %dma_start3A_123, %dma_start3A_124] : memref<1000x60x512xf32, #tpu.memory_space<hbm>> -> memref<1x60x512xf32, #tpu.memory_space<hbm>>
      tpu.enqueue_dma source(%dma_start3A_125 : memref<1x60x512xf32, #tpu.memory_space<hbm>>) target(%dma_start3A_122 : memref<1x60x512xf32, #tpu.memory_space<hbm>>) target_semaphore(%arg10 : memref<!tpu.dma_semaphore, #tpu.memory_space<semaphore_mem>>)
      %eq3A_126 = arith.constant 2 : i32
      %eq3A_127 = vector.broadcast %eq3A_126 : i32 to vector<16xi32>
      %eq3A_128 = arith.cmpi eq, %iota3A, %eq3A_127 : vector<16xi32>
      %jit3A_129 = arith.constant 0 : i32
      %broadcast_in_dim3A_130 = vector.broadcast %jit3A_129 : i32 to vector<16xi32>
      %select_n3A_131 = arith.select %eq3A_128, %get3A_19, %broadcast_in_dim3A_130 : vector<16xi1>, vector<16xi32>
      %reduce_sum3A_132 = arith.constant true
      %reduce_sum3A_133 = vector.broadcast %reduce_sum3A_132 : i1 to vector<16xi1>
      %reduce_sum3A_134 = tpu.scan <sum>, %select_n3A_131 masked %reduce_sum3A_133 : vector<16xi32>, vector<16xi1> -> vector<16xi32>
      %reduce_sum3A_135 = vector.extract %reduce_sum3A_134[15] : i32 from vector<16xi32>
      %eq3A_136 = arith.constant 2 : i32
      %eq3A_137 = vector.broadcast %eq3A_136 : i32 to vector<16xi32>
      %eq3A_138 = arith.cmpi eq, %iota3A, %eq3A_137 : vector<16xi32>
      %jit3A_139 = arith.constant 0 : i32
      %broadcast_in_dim3A_140 = vector.broadcast %jit3A_139 : i32 to vector<16xi32>
      %select_n3A_141 = arith.select %eq3A_138, %get3A_21, %broadcast_in_dim3A_140 : vector<16xi1>, vector<16xi32>
      %reduce_sum3A_142 = arith.constant true
      %reduce_sum3A_143 = vector.broadcast %reduce_sum3A_142 : i1 to vector<16xi1>
      %reduce_sum3A_144 = tpu.scan <sum>, %select_n3A_141 masked %reduce_sum3A_143 : vector<16xi32>, vector<16xi1> -> vector<16xi32>
      %reduce_sum3A_145 = vector.extract %reduce_sum3A_144[15] : i32 from vector<16xi32>
      %mul3A_146 = arith.constant 16 : i32
      %mul3A_147 = arith.muli %add3A_16, %mul3A_146 : i32
      %add3A_148 = arith.addi %mul3A_2, %mul3A_147 : i32
      %add3A_149 = arith.constant 2 : i32
      %add3A_150 = arith.addi %add3A_148, %add3A_149 : i32
      %dma_start3A_151 = arith.constant 0 : i32
      %dma_start3A_152 = arith.constant 0 : i32
      %dma_start3A_153 = tpu.memref_slice %arg7[%add3A_150, %dma_start3A_151, %dma_start3A_152] : memref<4096x77x512xf32, #tpu.memory_space<hbm>> -> memref<1x77x512xf32, #tpu.memory_space<hbm>>
      %dma_start3A_154 = arith.constant 0 : i32
      %dma_start3A_155 = arith.constant 0 : i32
      %dma_start3A_156 = arith.constant 0 : i32
      %dma_start3A_157 = tpu.memref_slice %dma_start3A_153[%dma_start3A_154, %dma_start3A_155, %dma_start3A_156] : memref<1x77x512xf32, #tpu.memory_space<hbm>> -> memref<1x1x512xf32, #tpu.memory_space<hbm>>
      %dma_start3A_158 = arith.constant 0 : i32
      %dma_start3A_159 = arith.constant 0 : i32
      %dma_start3A_160 = tpu.memref_slice %arg3[%reduce_sum3A_135, %dma_start3A_158, %dma_start3A_159] : memref<1000x1x512xf32, #tpu.memory_space<hbm>> -> memref<1x1x512xf32, #tpu.memory_space<hbm>>
      tpu.enqueue_dma source(%dma_start3A_160 : memref<1x1x512xf32, #tpu.memory_space<hbm>>) target(%dma_start3A_157 : memref<1x1x512xf32, #tpu.memory_space<hbm>>) target_semaphore(%arg10 : memref<!tpu.dma_semaphore, #tpu.memory_space<semaphore_mem>>)
      %dma_start3A_161 = arith.constant 0 : i32
      %dma_start3A_162 = arith.constant 0 : i32
      %dma_start3A_163 = tpu.memref_slice %arg7[%add3A_150, %dma_start3A_161, %dma_start3A_162] : memref<4096x77x512xf32, #tpu.memory_space<hbm>> -> memref<1x77x512xf32, #tpu.memory_space<hbm>>
      %dma_start3A_164 = arith.constant 0 : i32
      %dma_start3A_165 = arith.constant 1 : i32
      %dma_start3A_166 = arith.constant 0 : i32
      %dma_start3A_167 = tpu.memref_slice %dma_start3A_163[%dma_start3A_164, %dma_start3A_165, %dma_start3A_166] : memref<1x77x512xf32, #tpu.memory_space<hbm>> -> memref<1x16x512xf32, #tpu.memory_space<hbm>>
      %dma_start3A_168 = arith.constant 0 : i32
      %dma_start3A_169 = arith.constant 0 : i32
      %dma_start3A_170 = tpu.memref_slice %arg2[%reduce_sum3A_145, %dma_start3A_168, %dma_start3A_169] : memref<32x16x512xf32, #tpu.memory_space<hbm>> -> memref<1x16x512xf32, #tpu.memory_space<hbm>>
      tpu.enqueue_dma source(%dma_start3A_170 : memref<1x16x512xf32, #tpu.memory_space<hbm>>) target(%dma_start3A_167 : memref<1x16x512xf32, #tpu.memory_space<hbm>>) target_semaphore(%arg10 : memref<!tpu.dma_semaphore, #tpu.memory_space<semaphore_mem>>)
      %dma_start3A_171 = arith.constant 0 : i32
      %dma_start3A_172 = arith.constant 0 : i32
      %dma_start3A_173 = tpu.memref_slice %arg7[%add3A_150, %dma_start3A_171, %dma_start3A_172] : memref<4096x77x512xf32, #tpu.memory_space<hbm>> -> memref<1x77x512xf32, #tpu.memory_space<hbm>>
      %dma_start3A_174 = arith.constant 0 : i32
      %dma_start3A_175 = arith.constant 17 : i32
      %dma_start3A_176 = arith.constant 0 : i32
      %dma_start3A_177 = tpu.memref_slice %dma_start3A_173[%dma_start3A_174, %dma_start3A_175, %dma_start3A_176] : memref<1x77x512xf32, #tpu.memory_space<hbm>> -> memref<1x60x512xf32, #tpu.memory_space<hbm>>
      %dma_start3A_178 = arith.constant 0 : i32
      %dma_start3A_179 = arith.constant 0 : i32
      %dma_start3A_180 = tpu.memref_slice %arg4[%reduce_sum3A_135, %dma_start3A_178, %dma_start3A_179] : memref<1000x60x512xf32, #tpu.memory_space<hbm>> -> memref<1x60x512xf32, #tpu.memory_space<hbm>>
      tpu.enqueue_dma source(%dma_start3A_180 : memref<1x60x512xf32, #tpu.memory_space<hbm>>) target(%dma_start3A_177 : memref<1x60x512xf32, #tpu.memory_space<hbm>>) target_semaphore(%arg10 : memref<!tpu.dma_semaphore, #tpu.memory_space<semaphore_mem>>)
      %eq3A_181 = arith.constant 3 : i32
      %eq3A_182 = vector.broadcast %eq3A_181 : i32 to vector<16xi32>
      %eq3A_183 = arith.cmpi eq, %iota3A, %eq3A_182 : vector<16xi32>
      %jit3A_184 = arith.constant 0 : i32
      %broadcast_in_dim3A_185 = vector.broadcast %jit3A_184 : i32 to vector<16xi32>
      %select_n3A_186 = arith.select %eq3A_183, %get3A_19, %broadcast_in_dim3A_185 : vector<16xi1>, vector<16xi32>
      %reduce_sum3A_187 = arith.constant true
      %reduce_sum3A_188 = vector.broadcast %reduce_sum3A_187 : i1 to vector<16xi1>
      %reduce_sum3A_189 = tpu.scan <sum>, %select_n3A_186 masked %reduce_sum3A_188 : vector<16xi32>, vector<16xi1> -> vector<16xi32>
      %reduce_sum3A_190 = vector.extract %reduce_sum3A_189[15] : i32 from vector<16xi32>
      %eq3A_191 = arith.constant 3 : i32
      %eq3A_192 = vector.broadcast %eq3A_191 : i32 to vector<16xi32>
      %eq3A_193 = arith.cmpi eq, %iota3A, %eq3A_192 : vector<16xi32>
      %jit3A_194 = arith.constant 0 : i32
      %broadcast_in_dim3A_195 = vector.broadcast %jit3A_194 : i32 to vector<16xi32>
      %select_n3A_196 = arith.select %eq3A_193, %get3A_21, %broadcast_in_dim3A_195 : vector<16xi1>, vector<16xi32>
      %reduce_sum3A_197 = arith.constant true
      %reduce_sum3A_198 = vector.broadcast %reduce_sum3A_197 : i1 to vector<16xi1>
      %reduce_sum3A_199 = tpu.scan <sum>, %select_n3A_196 masked %reduce_sum3A_198 : vector<16xi32>, vector<16xi1> -> vector<16xi32>
      %reduce_sum3A_200 = vector.extract %reduce_sum3A_199[15] : i32 from vector<16xi32>
      %mul3A_201 = arith.constant 16 : i32
      %mul3A_202 = arith.muli %add3A_16, %mul3A_201 : i32
      %add3A_203 = arith.addi %mul3A_2, %mul3A_202 : i32
      %add3A_204 = arith.constant 3 : i32
      %add3A_205 = arith.addi %add3A_203, %add3A_204 : i32
      %dma_start3A_206 = arith.constant 0 : i32
      %dma_start3A_207 = arith.constant 0 : i32
      %dma_start3A_208 = tpu.memref_slice %arg7[%add3A_205, %dma_start3A_206, %dma_start3A_207] : memref<4096x77x512xf32, #tpu.memory_space<hbm>> -> memref<1x77x512xf32, #tpu.memory_space<hbm>>
      %dma_start3A_209 = arith.constant 0 : i32
      %dma_start3A_210 = arith.constant 0 : i32
      %dma_start3A_211 = arith.constant 0 : i32
      %dma_start3A_212 = tpu.memref_slice %dma_start3A_208[%dma_start3A_209, %dma_start3A_210, %dma_start3A_211] : memref<1x77x512xf32, #tpu.memory_space<hbm>> -> memref<1x1x512xf32, #tpu.memory_space<hbm>>
      %dma_start3A_213 = arith.constant 0 : i32
      %dma_start3A_214 = arith.constant 0 : i32
      %dma_start3A_215 = tpu.memref_slice %arg3[%reduce_sum3A_190, %dma_start3A_213, %dma_start3A_214] : memref<1000x1x512xf32, #tpu.memory_space<hbm>> -> memref<1x1x512xf32, #tpu.memory_space<hbm>>
      tpu.enqueue_dma source(%dma_start3A_215 : memref<1x1x512xf32, #tpu.memory_space<hbm>>) target(%dma_start3A_212 : memref<1x1x512xf32, #tpu.memory_space<hbm>>) target_semaphore(%arg10 : memref<!tpu.dma_semaphore, #tpu.memory_space<semaphore_mem>>)
      %dma_start3A_216 = arith.constant 0 : i32
      %dma_start3A_217 = arith.constant 0 : i32
      %dma_start3A_218 = tpu.memref_slice %arg7[%add3A_205, %dma_start3A_216, %dma_start3A_217] : memref<4096x77x512xf32, #tpu.memory_space<hbm>> -> memref<1x77x512xf32, #tpu.memory_space<hbm>>
      %dma_start3A_219 = arith.constant 0 : i32
      %dma_start3A_220 = arith.constant 1 : i32
      %dma_start3A_221 = arith.constant 0 : i32
      %dma_start3A_222 = tpu.memref_slice %dma_start3A_218[%dma_start3A_219, %dma_start3A_220, %dma_start3A_221] : memref<1x77x512xf32, #tpu.memory_space<hbm>> -> memref<1x16x512xf32, #tpu.memory_space<hbm>>
      %dma_start3A_223 = arith.constant 0 : i32
      %dma_start3A_224 = arith.constant 0 : i32
      %dma_start3A_225 = tpu.memref_slice %arg2[%reduce_sum3A_200, %dma_start3A_223, %dma_start3A_224] : memref<32x16x512xf32, #tpu.memory_space<hbm>> -> memref<1x16x512xf32, #tpu.memory_space<hbm>>
      tpu.enqueue_dma source(%dma_start3A_225 : memref<1x16x512xf32, #tpu.memory_space<hbm>>) target(%dma_start3A_222 : memref<1x16x512xf32, #tpu.memory_space<hbm>>) target_semaphore(%arg10 : memref<!tpu.dma_semaphore, #tpu.memory_space<semaphore_mem>>)
      %dma_start3A_226 = arith.constant 0 : i32
      %dma_start3A_227 = arith.constant 0 : i32
      %dma_start3A_228 = tpu.memref_slice %arg7[%add3A_205, %dma_start3A_226, %dma_start3A_227] : memref<4096x77x512xf32, #tpu.memory_space<hbm>> -> memref<1x77x512xf32, #tpu.memory_space<hbm>>
      %dma_start3A_229 = arith.constant 0 : i32
      %dma_start3A_230 = arith.constant 17 : i32
      %dma_start3A_231 = arith.constant 0 : i32
      %dma_start3A_232 = tpu.memref_slice %dma_start3A_228[%dma_start3A_229, %dma_start3A_230, %dma_start3A_231] : memref<1x77x512xf32, #tpu.memory_space<hbm>> -> memref<1x60x512xf32, #tpu.memory_space<hbm>>
      %dma_start3A_233 = arith.constant 0 : i32
      %dma_start3A_234 = arith.constant 0 : i32
      %dma_start3A_235 = tpu.memref_slice %arg4[%reduce_sum3A_190, %dma_start3A_233, %dma_start3A_234] : memref<1000x60x512xf32, #tpu.memory_space<hbm>> -> memref<1x60x512xf32, #tpu.memory_space<hbm>>
      tpu.enqueue_dma source(%dma_start3A_235 : memref<1x60x512xf32, #tpu.memory_space<hbm>>) target(%dma_start3A_232 : memref<1x60x512xf32, #tpu.memory_space<hbm>>) target_semaphore(%arg10 : memref<!tpu.dma_semaphore, #tpu.memory_space<semaphore_mem>>)
      %eq3A_236 = arith.constant 4 : i32
      %eq3A_237 = vector.broadcast %eq3A_236 : i32 to vector<16xi32>
      %eq3A_238 = arith.cmpi eq, %iota3A, %eq3A_237 : vector<16xi32>
      %jit3A_239 = arith.constant 0 : i32
      %broadcast_in_dim3A_240 = vector.broadcast %jit3A_239 : i32 to vector<16xi32>
      %select_n3A_241 = arith.select %eq3A_238, %get3A_19, %broadcast_in_dim3A_240 : vector<16xi1>, vector<16xi32>
      %reduce_sum3A_242 = arith.constant true
      %reduce_sum3A_243 = vector.broadcast %reduce_sum3A_242 : i1 to vector<16xi1>
      %reduce_sum3A_244 = tpu.scan <sum>, %select_n3A_241 masked %reduce_sum3A_243 : vector<16xi32>, vector<16xi1> -> vector<16xi32>
      %reduce_sum3A_245 = vector.extract %reduce_sum3A_244[15] : i32 from vector<16xi32>
      %eq3A_246 = arith.constant 4 : i32
      %eq3A_247 = vector.broadcast %eq3A_246 : i32 to vector<16xi32>
      %eq3A_248 = arith.cmpi eq, %iota3A, %eq3A_247 : vector<16xi32>
      %jit3A_249 = arith.constant 0 : i32
      %broadcast_in_dim3A_250 = vector.broadcast %jit3A_249 : i32 to vector<16xi32>
      %select_n3A_251 = arith.select %eq3A_248, %get3A_21, %broadcast_in_dim3A_250 : vector<16xi1>, vector<16xi32>
      %reduce_sum3A_252 = arith.constant true
      %reduce_sum3A_253 = vector.broadcast %reduce_sum3A_252 : i1 to vector<16xi1>
      %reduce_sum3A_254 = tpu.scan <sum>, %select_n3A_251 masked %reduce_sum3A_253 : vector<16xi32>, vector<16xi1> -> vector<16xi32>
      %reduce_sum3A_255 = vector.extract %reduce_sum3A_254[15] : i32 from vector<16xi32>
      %mul3A_256 = arith.constant 16 : i32
      %mul3A_257 = arith.muli %add3A_16, %mul3A_256 : i32
      %add3A_258 = arith.addi %mul3A_2, %mul3A_257 : i32
      %add3A_259 = arith.constant 4 : i32
      %add3A_260 = arith.addi %add3A_258, %add3A_259 : i32
      %dma_start3A_261 = arith.constant 0 : i32
      %dma_start3A_262 = arith.constant 0 : i32
      %dma_start3A_263 = tpu.memref_slice %arg7[%add3A_260, %dma_start3A_261, %dma_start3A_262] : memref<4096x77x512xf32, #tpu.memory_space<hbm>> -> memref<1x77x512xf32, #tpu.memory_space<hbm>>
      %dma_start3A_264 = arith.constant 0 : i32
      %dma_start3A_265 = arith.constant 0 : i32
      %dma_start3A_266 = arith.constant 0 : i32
      %dma_start3A_267 = tpu.memref_slice %dma_start3A_263[%dma_start3A_264, %dma_start3A_265, %dma_start3A_266] : memref<1x77x512xf32, #tpu.memory_space<hbm>> -> memref<1x1x512xf32, #tpu.memory_space<hbm>>
      %dma_start3A_268 = arith.constant 0 : i32
      %dma_start3A_269 = arith.constant 0 : i32
      %dma_start3A_270 = tpu.memref_slice %arg3[%reduce_sum3A_245, %dma_start3A_268, %dma_start3A_269] : memref<1000x1x512xf32, #tpu.memory_space<hbm>> -> memref<1x1x512xf32, #tpu.memory_space<hbm>>
      tpu.enqueue_dma source(%dma_start3A_270 : memref<1x1x512xf32, #tpu.memory_space<hbm>>) target(%dma_start3A_267 : memref<1x1x512xf32, #tpu.memory_space<hbm>>) target_semaphore(%arg10 : memref<!tpu.dma_semaphore, #tpu.memory_space<semaphore_mem>>)
      %dma_start3A_271 = arith.constant 0 : i32
      %dma_start3A_272 = arith.constant 0 : i32
      %dma_start3A_273 = tpu.memref_slice %arg7[%add3A_260, %dma_start3A_271, %dma_start3A_272] : memref<4096x77x512xf32, #tpu.memory_space<hbm>> -> memref<1x77x512xf32, #tpu.memory_space<hbm>>
      %dma_start3A_274 = arith.constant 0 : i32
      %dma_start3A_275 = arith.constant 1 : i32
      %dma_start3A_276 = arith.constant 0 : i32
      %dma_start3A_277 = tpu.memref_slice %dma_start3A_273[%dma_start3A_274, %dma_start3A_275, %dma_start3A_276] : memref<1x77x512xf32, #tpu.memory_space<hbm>> -> memref<1x16x512xf32, #tpu.memory_space<hbm>>
      %dma_start3A_278 = arith.constant 0 : i32
      %dma_start3A_279 = arith.constant 0 : i32
      %dma_start3A_280 = tpu.memref_slice %arg2[%reduce_sum3A_255, %dma_start3A_278, %dma_start3A_279] : memref<32x16x512xf32, #tpu.memory_space<hbm>> -> memref<1x16x512xf32, #tpu.memory_space<hbm>>
      tpu.enqueue_dma source(%dma_start3A_280 : memref<1x16x512xf32, #tpu.memory_space<hbm>>) target(%dma_start3A_277 : memref<1x16x512xf32, #tpu.memory_space<hbm>>) target_semaphore(%arg10 : memref<!tpu.dma_semaphore, #tpu.memory_space<semaphore_mem>>)
      %dma_start3A_281 = arith.constant 0 : i32
      %dma_start3A_282 = arith.constant 0 : i32
      %dma_start3A_283 = tpu.memref_slice %arg7[%add3A_260, %dma_start3A_281, %dma_start3A_282] : memref<4096x77x512xf32, #tpu.memory_space<hbm>> -> memref<1x77x512xf32, #tpu.memory_space<hbm>>
      %dma_start3A_284 = arith.constant 0 : i32
      %dma_start3A_285 = arith.constant 17 : i32
      %dma_start3A_286 = arith.constant 0 : i32
      %dma_start3A_287 = tpu.memref_slice %dma_start3A_283[%dma_start3A_284, %dma_start3A_285, %dma_start3A_286] : memref<1x77x512xf32, #tpu.memory_space<hbm>> -> memref<1x60x512xf32, #tpu.memory_space<hbm>>
      %dma_start3A_288 = arith.constant 0 : i32
      %dma_start3A_289 = arith.constant 0 : i32
      %dma_start3A_290 = tpu.memref_slice %arg4[%reduce_sum3A_245, %dma_start3A_288, %dma_start3A_289] : memref<1000x60x512xf32, #tpu.memory_space<hbm>> -> memref<1x60x512xf32, #tpu.memory_space<hbm>>
      tpu.enqueue_dma source(%dma_start3A_290 : memref<1x60x512xf32, #tpu.memory_space<hbm>>) target(%dma_start3A_287 : memref<1x60x512xf32, #tpu.memory_space<hbm>>) target_semaphore(%arg10 : memref<!tpu.dma_semaphore, #tpu.memory_space<semaphore_mem>>)
      %eq3A_291 = arith.constant 5 : i32
      %eq3A_292 = vector.broadcast %eq3A_291 : i32 to vector<16xi32>
      %eq3A_293 = arith.cmpi eq, %iota3A, %eq3A_292 : vector<16xi32>
      %jit3A_294 = arith.constant 0 : i32
      %broadcast_in_dim3A_295 = vector.broadcast %jit3A_294 : i32 to vector<16xi32>
      %select_n3A_296 = arith.select %eq3A_293, %get3A_19, %broadcast_in_dim3A_295 : vector<16xi1>, vector<16xi32>
      %reduce_sum3A_297 = arith.constant true
      %reduce_sum3A_298 = vector.broadcast %reduce_sum3A_297 : i1 to vector<16xi1>
      %reduce_sum3A_299 = tpu.scan <sum>, %select_n3A_296 masked %reduce_sum3A_298 : vector<16xi32>, vector<16xi1> -> vector<16xi32>
      %reduce_sum3A_300 = vector.extract %reduce_sum3A_299[15] : i32 from vector<16xi32>
      %eq3A_301 = arith.constant 5 : i32
      %eq3A_302 = vector.broadcast %eq3A_301 : i32 to vector<16xi32>
      %eq3A_303 = arith.cmpi eq, %iota3A, %eq3A_302 : vector<16xi32>
      %jit3A_304 = arith.constant 0 : i32
      %broadcast_in_dim3A_305 = vector.broadcast %jit3A_304 : i32 to vector<16xi32>
      %select_n3A_306 = arith.select %eq3A_303, %get3A_21, %broadcast_in_dim3A_305 : vector<16xi1>, vector<16xi32>
      %reduce_sum3A_307 = arith.constant true
      %reduce_sum3A_308 = vector.broadcast %reduce_sum3A_307 : i1 to vector<16xi1>
      %reduce_sum3A_309 = tpu.scan <sum>, %select_n3A_306 masked %reduce_sum3A_308 : vector<16xi32>, vector<16xi1> -> vector<16xi32>
      %reduce_sum3A_310 = vector.extract %reduce_sum3A_309[15] : i32 from vector<16xi32>
      %mul3A_311 = arith.constant 16 : i32
      %mul3A_312 = arith.muli %add3A_16, %mul3A_311 : i32
      %add3A_313 = arith.addi %mul3A_2, %mul3A_312 : i32
      %add3A_314 = arith.constant 5 : i32
      %add3A_315 = arith.addi %add3A_313, %add3A_314 : i32
      %dma_start3A_316 = arith.constant 0 : i32
      %dma_start3A_317 = arith.constant 0 : i32
      %dma_start3A_318 = tpu.memref_slice %arg7[%add3A_315, %dma_start3A_316, %dma_start3A_317] : memref<4096x77x512xf32, #tpu.memory_space<hbm>> -> memref<1x77x512xf32, #tpu.memory_space<hbm>>
      %dma_start3A_319 = arith.constant 0 : i32
      %dma_start3A_320 = arith.constant 0 : i32
      %dma_start3A_321 = arith.constant 0 : i32
      %dma_start3A_322 = tpu.memref_slice %dma_start3A_318[%dma_start3A_319, %dma_start3A_320, %dma_start3A_321] : memref<1x77x512xf32, #tpu.memory_space<hbm>> -> memref<1x1x512xf32, #tpu.memory_space<hbm>>
      %dma_start3A_323 = arith.constant 0 : i32
      %dma_start3A_324 = arith.constant 0 : i32
      %dma_start3A_325 = tpu.memref_slice %arg3[%reduce_sum3A_300, %dma_start3A_323, %dma_start3A_324] : memref<1000x1x512xf32, #tpu.memory_space<hbm>> -> memref<1x1x512xf32, #tpu.memory_space<hbm>>
      tpu.enqueue_dma source(%dma_start3A_325 : memref<1x1x512xf32, #tpu.memory_space<hbm>>) target(%dma_start3A_322 : memref<1x1x512xf32, #tpu.memory_space<hbm>>) target_semaphore(%arg10 : memref<!tpu.dma_semaphore, #tpu.memory_space<semaphore_mem>>)
      %dma_start3A_326 = arith.constant 0 : i32
      %dma_start3A_327 = arith.constant 0 : i32
      %dma_start3A_328 = tpu.memref_slice %arg7[%add3A_315, %dma_start3A_326, %dma_start3A_327] : memref<4096x77x512xf32, #tpu.memory_space<hbm>> -> memref<1x77x512xf32, #tpu.memory_space<hbm>>
      %dma_start3A_329 = arith.constant 0 : i32
      %dma_start3A_330 = arith.constant 1 : i32
      %dma_start3A_331 = arith.constant 0 : i32
      %dma_start3A_332 = tpu.memref_slice %dma_start3A_328[%dma_start3A_329, %dma_start3A_330, %dma_start3A_331] : memref<1x77x512xf32, #tpu.memory_space<hbm>> -> memref<1x16x512xf32, #tpu.memory_space<hbm>>
      %dma_start3A_333 = arith.constant 0 : i32
      %dma_start3A_334 = arith.constant 0 : i32
      %dma_start3A_335 = tpu.memref_slice %arg2[%reduce_sum3A_310, %dma_start3A_333, %dma_start3A_334] : memref<32x16x512xf32, #tpu.memory_space<hbm>> -> memref<1x16x512xf32, #tpu.memory_space<hbm>>
      tpu.enqueue_dma source(%dma_start3A_335 : memref<1x16x512xf32, #tpu.memory_space<hbm>>) target(%dma_start3A_332 : memref<1x16x512xf32, #tpu.memory_space<hbm>>) target_semaphore(%arg10 : memref<!tpu.dma_semaphore, #tpu.memory_space<semaphore_mem>>)
      %dma_start3A_336 = arith.constant 0 : i32
      %dma_start3A_337 = arith.constant 0 : i32
      %dma_start3A_338 = tpu.memref_slice %arg7[%add3A_315, %dma_start3A_336, %dma_start3A_337] : memref<4096x77x512xf32, #tpu.memory_space<hbm>> -> memref<1x77x512xf32, #tpu.memory_space<hbm>>
      %dma_start3A_339 = arith.constant 0 : i32
      %dma_start3A_340 = arith.constant 17 : i32
      %dma_start3A_341 = arith.constant 0 : i32
      %dma_start3A_342 = tpu.memref_slice %dma_start3A_338[%dma_start3A_339, %dma_start3A_340, %dma_start3A_341] : memref<1x77x512xf32, #tpu.memory_space<hbm>> -> memref<1x60x512xf32, #tpu.memory_space<hbm>>
      %dma_start3A_343 = arith.constant 0 : i32
      %dma_start3A_344 = arith.constant 0 : i32
      %dma_start3A_345 = tpu.memref_slice %arg4[%reduce_sum3A_300, %dma_start3A_343, %dma_start3A_344] : memref<1000x60x512xf32, #tpu.memory_space<hbm>> -> memref<1x60x512xf32, #tpu.memory_space<hbm>>
      tpu.enqueue_dma source(%dma_start3A_345 : memref<1x60x512xf32, #tpu.memory_space<hbm>>) target(%dma_start3A_342 : memref<1x60x512xf32, #tpu.memory_space<hbm>>) target_semaphore(%arg10 : memref<!tpu.dma_semaphore, #tpu.memory_space<semaphore_mem>>)
      %eq3A_346 = arith.constant 6 : i32
      %eq3A_347 = vector.broadcast %eq3A_346 : i32 to vector<16xi32>
      %eq3A_348 = arith.cmpi eq, %iota3A, %eq3A_347 : vector<16xi32>
      %jit3A_349 = arith.constant 0 : i32
      %broadcast_in_dim3A_350 = vector.broadcast %jit3A_349 : i32 to vector<16xi32>
      %select_n3A_351 = arith.select %eq3A_348, %get3A_19, %broadcast_in_dim3A_350 : vector<16xi1>, vector<16xi32>
      %reduce_sum3A_352 = arith.constant true
      %reduce_sum3A_353 = vector.broadcast %reduce_sum3A_352 : i1 to vector<16xi1>
      %reduce_sum3A_354 = tpu.scan <sum>, %select_n3A_351 masked %reduce_sum3A_353 : vector<16xi32>, vector<16xi1> -> vector<16xi32>
      %reduce_sum3A_355 = vector.extract %reduce_sum3A_354[15] : i32 from vector<16xi32>
      %eq3A_356 = arith.constant 6 : i32
      %eq3A_357 = vector.broadcast %eq3A_356 : i32 to vector<16xi32>
      %eq3A_358 = arith.cmpi eq, %iota3A, %eq3A_357 : vector<16xi32>
      %jit3A_359 = arith.constant 0 : i32
      %broadcast_in_dim3A_360 = vector.broadcast %jit3A_359 : i32 to vector<16xi32>
      %select_n3A_361 = arith.select %eq3A_358, %get3A_21, %broadcast_in_dim3A_360 : vector<16xi1>, vector<16xi32>
      %reduce_sum3A_362 = arith.constant true
      %reduce_sum3A_363 = vector.broadcast %reduce_sum3A_362 : i1 to vector<16xi1>
      %reduce_sum3A_364 = tpu.scan <sum>, %select_n3A_361 masked %reduce_sum3A_363 : vector<16xi32>, vector<16xi1> -> vector<16xi32>
      %reduce_sum3A_365 = vector.extract %reduce_sum3A_364[15] : i32 from vector<16xi32>
      %mul3A_366 = arith.constant 16 : i32
      %mul3A_367 = arith.muli %add3A_16, %mul3A_366 : i32
      %add3A_368 = arith.addi %mul3A_2, %mul3A_367 : i32
      %add3A_369 = arith.constant 6 : i32
      %add3A_370 = arith.addi %add3A_368, %add3A_369 : i32
      %dma_start3A_371 = arith.constant 0 : i32
      %dma_start3A_372 = arith.constant 0 : i32
      %dma_start3A_373 = tpu.memref_slice %arg7[%add3A_370, %dma_start3A_371, %dma_start3A_372] : memref<4096x77x512xf32, #tpu.memory_space<hbm>> -> memref<1x77x512xf32, #tpu.memory_space<hbm>>
      %dma_start3A_374 = arith.constant 0 : i32
      %dma_start3A_375 = arith.constant 0 : i32
      %dma_start3A_376 = arith.constant 0 : i32
      %dma_start3A_377 = tpu.memref_slice %dma_start3A_373[%dma_start3A_374, %dma_start3A_375, %dma_start3A_376] : memref<1x77x512xf32, #tpu.memory_space<hbm>> -> memref<1x1x512xf32, #tpu.memory_space<hbm>>
      %dma_start3A_378 = arith.constant 0 : i32
      %dma_start3A_379 = arith.constant 0 : i32
      %dma_start3A_380 = tpu.memref_slice %arg3[%reduce_sum3A_355, %dma_start3A_378, %dma_start3A_379] : memref<1000x1x512xf32, #tpu.memory_space<hbm>> -> memref<1x1x512xf32, #tpu.memory_space<hbm>>
      tpu.enqueue_dma source(%dma_start3A_380 : memref<1x1x512xf32, #tpu.memory_space<hbm>>) target(%dma_start3A_377 : memref<1x1x512xf32, #tpu.memory_space<hbm>>) target_semaphore(%arg10 : memref<!tpu.dma_semaphore, #tpu.memory_space<semaphore_mem>>)
      %dma_start3A_381 = arith.constant 0 : i32
      %dma_start3A_382 = arith.constant 0 : i32
      %dma_start3A_383 = tpu.memref_slice %arg7[%add3A_370, %dma_start3A_381, %dma_start3A_382] : memref<4096x77x512xf32, #tpu.memory_space<hbm>> -> memref<1x77x512xf32, #tpu.memory_space<hbm>>
      %dma_start3A_384 = arith.constant 0 : i32
      %dma_start3A_385 = arith.constant 1 : i32
      %dma_start3A_386 = arith.constant 0 : i32
      %dma_start3A_387 = tpu.memref_slice %dma_start3A_383[%dma_start3A_384, %dma_start3A_385, %dma_start3A_386] : memref<1x77x512xf32, #tpu.memory_space<hbm>> -> memref<1x16x512xf32, #tpu.memory_space<hbm>>
      %dma_start3A_388 = arith.constant 0 : i32
      %dma_start3A_389 = arith.constant 0 : i32
      %dma_start3A_390 = tpu.memref_slice %arg2[%reduce_sum3A_365, %dma_start3A_388, %dma_start3A_389] : memref<32x16x512xf32, #tpu.memory_space<hbm>> -> memref<1x16x512xf32, #tpu.memory_space<hbm>>
      tpu.enqueue_dma source(%dma_start3A_390 : memref<1x16x512xf32, #tpu.memory_space<hbm>>) target(%dma_start3A_387 : memref<1x16x512xf32, #tpu.memory_space<hbm>>) target_semaphore(%arg10 : memref<!tpu.dma_semaphore, #tpu.memory_space<semaphore_mem>>)
      %dma_start3A_391 = arith.constant 0 : i32
      %dma_start3A_392 = arith.constant 0 : i32
      %dma_start3A_393 = tpu.memref_slice %arg7[%add3A_370, %dma_start3A_391, %dma_start3A_392] : memref<4096x77x512xf32, #tpu.memory_space<hbm>> -> memref<1x77x512xf32, #tpu.memory_space<hbm>>
      %dma_start3A_394 = arith.constant 0 : i32
      %dma_start3A_395 = arith.constant 17 : i32
      %dma_start3A_396 = arith.constant 0 : i32
      %dma_start3A_397 = tpu.memref_slice %dma_start3A_393[%dma_start3A_394, %dma_start3A_395, %dma_start3A_396] : memref<1x77x512xf32, #tpu.memory_space<hbm>> -> memref<1x60x512xf32, #tpu.memory_space<hbm>>
      %dma_start3A_398 = arith.constant 0 : i32
      %dma_start3A_399 = arith.constant 0 : i32
      %dma_start3A_400 = tpu.memref_slice %arg4[%reduce_sum3A_355, %dma_start3A_398, %dma_start3A_399] : memref<1000x60x512xf32, #tpu.memory_space<hbm>> -> memref<1x60x512xf32, #tpu.memory_space<hbm>>
      tpu.enqueue_dma source(%dma_start3A_400 : memref<1x60x512xf32, #tpu.memory_space<hbm>>) target(%dma_start3A_397 : memref<1x60x512xf32, #tpu.memory_space<hbm>>) target_semaphore(%arg10 : memref<!tpu.dma_semaphore, #tpu.memory_space<semaphore_mem>>)
      %eq3A_401 = arith.constant 7 : i32
      %eq3A_402 = vector.broadcast %eq3A_401 : i32 to vector<16xi32>
      %eq3A_403 = arith.cmpi eq, %iota3A, %eq3A_402 : vector<16xi32>
      %jit3A_404 = arith.constant 0 : i32
      %broadcast_in_dim3A_405 = vector.broadcast %jit3A_404 : i32 to vector<16xi32>
      %select_n3A_406 = arith.select %eq3A_403, %get3A_19, %broadcast_in_dim3A_405 : vector<16xi1>, vector<16xi32>
      %reduce_sum3A_407 = arith.constant true
      %reduce_sum3A_408 = vector.broadcast %reduce_sum3A_407 : i1 to vector<16xi1>
      %reduce_sum3A_409 = tpu.scan <sum>, %select_n3A_406 masked %reduce_sum3A_408 : vector<16xi32>, vector<16xi1> -> vector<16xi32>
      %reduce_sum3A_410 = vector.extract %reduce_sum3A_409[15] : i32 from vector<16xi32>
      %eq3A_411 = arith.constant 7 : i32
      %eq3A_412 = vector.broadcast %eq3A_411 : i32 to vector<16xi32>
      %eq3A_413 = arith.cmpi eq, %iota3A, %eq3A_412 : vector<16xi32>
      %jit3A_414 = arith.constant 0 : i32
      %broadcast_in_dim3A_415 = vector.broadcast %jit3A_414 : i32 to vector<16xi32>
      %select_n3A_416 = arith.select %eq3A_413, %get3A_21, %broadcast_in_dim3A_415 : vector<16xi1>, vector<16xi32>
      %reduce_sum3A_417 = arith.constant true
      %reduce_sum3A_418 = vector.broadcast %reduce_sum3A_417 : i1 to vector<16xi1>
      %reduce_sum3A_419 = tpu.scan <sum>, %select_n3A_416 masked %reduce_sum3A_418 : vector<16xi32>, vector<16xi1> -> vector<16xi32>
      %reduce_sum3A_420 = vector.extract %reduce_sum3A_419[15] : i32 from vector<16xi32>
      %mul3A_421 = arith.constant 16 : i32
      %mul3A_422 = arith.muli %add3A_16, %mul3A_421 : i32
      %add3A_423 = arith.addi %mul3A_2, %mul3A_422 : i32
      %add3A_424 = arith.constant 7 : i32
      %add3A_425 = arith.addi %add3A_423, %add3A_424 : i32
      %dma_start3A_426 = arith.constant 0 : i32
      %dma_start3A_427 = arith.constant 0 : i32
      %dma_start3A_428 = tpu.memref_slice %arg7[%add3A_425, %dma_start3A_426, %dma_start3A_427] : memref<4096x77x512xf32, #tpu.memory_space<hbm>> -> memref<1x77x512xf32, #tpu.memory_space<hbm>>
      %dma_start3A_429 = arith.constant 0 : i32
      %dma_start3A_430 = arith.constant 0 : i32
      %dma_start3A_431 = arith.constant 0 : i32
      %dma_start3A_432 = tpu.memref_slice %dma_start3A_428[%dma_start3A_429, %dma_start3A_430, %dma_start3A_431] : memref<1x77x512xf32, #tpu.memory_space<hbm>> -> memref<1x1x512xf32, #tpu.memory_space<hbm>>
      %dma_start3A_433 = arith.constant 0 : i32
      %dma_start3A_434 = arith.constant 0 : i32
      %dma_start3A_435 = tpu.memref_slice %arg3[%reduce_sum3A_410, %dma_start3A_433, %dma_start3A_434] : memref<1000x1x512xf32, #tpu.memory_space<hbm>> -> memref<1x1x512xf32, #tpu.memory_space<hbm>>
      tpu.enqueue_dma source(%dma_start3A_435 : memref<1x1x512xf32, #tpu.memory_space<hbm>>) target(%dma_start3A_432 : memref<1x1x512xf32, #tpu.memory_space<hbm>>) target_semaphore(%arg10 : memref<!tpu.dma_semaphore, #tpu.memory_space<semaphore_mem>>)
      %dma_start3A_436 = arith.constant 0 : i32
      %dma_start3A_437 = arith.constant 0 : i32
      %dma_start3A_438 = tpu.memref_slice %arg7[%add3A_425, %dma_start3A_436, %dma_start3A_437] : memref<4096x77x512xf32, #tpu.memory_space<hbm>> -> memref<1x77x512xf32, #tpu.memory_space<hbm>>
      %dma_start3A_439 = arith.constant 0 : i32
      %dma_start3A_440 = arith.constant 1 : i32
      %dma_start3A_441 = arith.constant 0 : i32
      %dma_start3A_442 = tpu.memref_slice %dma_start3A_438[%dma_start3A_439, %dma_start3A_440, %dma_start3A_441] : memref<1x77x512xf32, #tpu.memory_space<hbm>> -> memref<1x16x512xf32, #tpu.memory_space<hbm>>
      %dma_start3A_443 = arith.constant 0 : i32
      %dma_start3A_444 = arith.constant 0 : i32
      %dma_start3A_445 = tpu.memref_slice %arg2[%reduce_sum3A_420, %dma_start3A_443, %dma_start3A_444] : memref<32x16x512xf32, #tpu.memory_space<hbm>> -> memref<1x16x512xf32, #tpu.memory_space<hbm>>
      tpu.enqueue_dma source(%dma_start3A_445 : memref<1x16x512xf32, #tpu.memory_space<hbm>>) target(%dma_start3A_442 : memref<1x16x512xf32, #tpu.memory_space<hbm>>) target_semaphore(%arg10 : memref<!tpu.dma_semaphore, #tpu.memory_space<semaphore_mem>>)
      %dma_start3A_446 = arith.constant 0 : i32
      %dma_start3A_447 = arith.constant 0 : i32
      %dma_start3A_448 = tpu.memref_slice %arg7[%add3A_425, %dma_start3A_446, %dma_start3A_447] : memref<4096x77x512xf32, #tpu.memory_space<hbm>> -> memref<1x77x512xf32, #tpu.memory_space<hbm>>
      %dma_start3A_449 = arith.constant 0 : i32
      %dma_start3A_450 = arith.constant 17 : i32
      %dma_start3A_451 = arith.constant 0 : i32
      %dma_start3A_452 = tpu.memref_slice %dma_start3A_448[%dma_start3A_449, %dma_start3A_450, %dma_start3A_451] : memref<1x77x512xf32, #tpu.memory_space<hbm>> -> memref<1x60x512xf32, #tpu.memory_space<hbm>>
      %dma_start3A_453 = arith.constant 0 : i32
      %dma_start3A_454 = arith.constant 0 : i32
      %dma_start3A_455 = tpu.memref_slice %arg4[%reduce_sum3A_410, %dma_start3A_453, %dma_start3A_454] : memref<1000x60x512xf32, #tpu.memory_space<hbm>> -> memref<1x60x512xf32, #tpu.memory_space<hbm>>
      tpu.enqueue_dma source(%dma_start3A_455 : memref<1x60x512xf32, #tpu.memory_space<hbm>>) target(%dma_start3A_452 : memref<1x60x512xf32, #tpu.memory_space<hbm>>) target_semaphore(%arg10 : memref<!tpu.dma_semaphore, #tpu.memory_space<semaphore_mem>>)
      %eq3A_456 = arith.constant 8 : i32
      %eq3A_457 = vector.broadcast %eq3A_456 : i32 to vector<16xi32>
      %eq3A_458 = arith.cmpi eq, %iota3A, %eq3A_457 : vector<16xi32>
      %jit3A_459 = arith.constant 0 : i32
      %broadcast_in_dim3A_460 = vector.broadcast %jit3A_459 : i32 to vector<16xi32>
      %select_n3A_461 = arith.select %eq3A_458, %get3A_19, %broadcast_in_dim3A_460 : vector<16xi1>, vector<16xi32>
      %reduce_sum3A_462 = arith.constant true
      %reduce_sum3A_463 = vector.broadcast %reduce_sum3A_462 : i1 to vector<16xi1>
      %reduce_sum3A_464 = tpu.scan <sum>, %select_n3A_461 masked %reduce_sum3A_463 : vector<16xi32>, vector<16xi1> -> vector<16xi32>
      %reduce_sum3A_465 = vector.extract %reduce_sum3A_464[15] : i32 from vector<16xi32>
      %eq3A_466 = arith.constant 8 : i32
      %eq3A_467 = vector.broadcast %eq3A_466 : i32 to vector<16xi32>
      %eq3A_468 = arith.cmpi eq, %iota3A, %eq3A_467 : vector<16xi32>
      %jit3A_469 = arith.constant 0 : i32
      %broadcast_in_dim3A_470 = vector.broadcast %jit3A_469 : i32 to vector<16xi32>
      %select_n3A_471 = arith.select %eq3A_468, %get3A_21, %broadcast_in_dim3A_470 : vector<16xi1>, vector<16xi32>
      %reduce_sum3A_472 = arith.constant true
      %reduce_sum3A_473 = vector.broadcast %reduce_sum3A_472 : i1 to vector<16xi1>
      %reduce_sum3A_474 = tpu.scan <sum>, %select_n3A_471 masked %reduce_sum3A_473 : vector<16xi32>, vector<16xi1> -> vector<16xi32>
      %reduce_sum3A_475 = vector.extract %reduce_sum3A_474[15] : i32 from vector<16xi32>
      %mul3A_476 = arith.constant 16 : i32
      %mul3A_477 = arith.muli %add3A_16, %mul3A_476 : i32
      %add3A_478 = arith.addi %mul3A_2, %mul3A_477 : i32
      %add3A_479 = arith.constant 8 : i32
      %add3A_480 = arith.addi %add3A_478, %add3A_479 : i32
      %dma_start3A_481 = arith.constant 0 : i32
      %dma_start3A_482 = arith.constant 0 : i32
      %dma_start3A_483 = tpu.memref_slice %arg7[%add3A_480, %dma_start3A_481, %dma_start3A_482] : memref<4096x77x512xf32, #tpu.memory_space<hbm>> -> memref<1x77x512xf32, #tpu.memory_space<hbm>>
      %dma_start3A_484 = arith.constant 0 : i32
      %dma_start3A_485 = arith.constant 0 : i32
      %dma_start3A_486 = arith.constant 0 : i32
      %dma_start3A_487 = tpu.memref_slice %dma_start3A_483[%dma_start3A_484, %dma_start3A_485, %dma_start3A_486] : memref<1x77x512xf32, #tpu.memory_space<hbm>> -> memref<1x1x512xf32, #tpu.memory_space<hbm>>
      %dma_start3A_488 = arith.constant 0 : i32
      %dma_start3A_489 = arith.constant 0 : i32
      %dma_start3A_490 = tpu.memref_slice %arg3[%reduce_sum3A_465, %dma_start3A_488, %dma_start3A_489] : memref<1000x1x512xf32, #tpu.memory_space<hbm>> -> memref<1x1x512xf32, #tpu.memory_space<hbm>>
      tpu.enqueue_dma source(%dma_start3A_490 : memref<1x1x512xf32, #tpu.memory_space<hbm>>) target(%dma_start3A_487 : memref<1x1x512xf32, #tpu.memory_space<hbm>>) target_semaphore(%arg10 : memref<!tpu.dma_semaphore, #tpu.memory_space<semaphore_mem>>)
      %dma_start3A_491 = arith.constant 0 : i32
      %dma_start3A_492 = arith.constant 0 : i32
      %dma_start3A_493 = tpu.memref_slice %arg7[%add3A_480, %dma_start3A_491, %dma_start3A_492] : memref<4096x77x512xf32, #tpu.memory_space<hbm>> -> memref<1x77x512xf32, #tpu.memory_space<hbm>>
      %dma_start3A_494 = arith.constant 0 : i32
      %dma_start3A_495 = arith.constant 1 : i32
      %dma_start3A_496 = arith.constant 0 : i32
      %dma_start3A_497 = tpu.memref_slice %dma_start3A_493[%dma_start3A_494, %dma_start3A_495, %dma_start3A_496] : memref<1x77x512xf32, #tpu.memory_space<hbm>> -> memref<1x16x512xf32, #tpu.memory_space<hbm>>
      %dma_start3A_498 = arith.constant 0 : i32
      %dma_start3A_499 = arith.constant 0 : i32
      %dma_start3A_500 = tpu.memref_slice %arg2[%reduce_sum3A_475, %dma_start3A_498, %dma_start3A_499] : memref<32x16x512xf32, #tpu.memory_space<hbm>> -> memref<1x16x512xf32, #tpu.memory_space<hbm>>
      tpu.enqueue_dma source(%dma_start3A_500 : memref<1x16x512xf32, #tpu.memory_space<hbm>>) target(%dma_start3A_497 : memref<1x16x512xf32, #tpu.memory_space<hbm>>) target_semaphore(%arg10 : memref<!tpu.dma_semaphore, #tpu.memory_space<semaphore_mem>>)
      %dma_start3A_501 = arith.constant 0 : i32
      %dma_start3A_502 = arith.constant 0 : i32
      %dma_start3A_503 = tpu.memref_slice %arg7[%add3A_480, %dma_start3A_501, %dma_start3A_502] : memref<4096x77x512xf32, #tpu.memory_space<hbm>> -> memref<1x77x512xf32, #tpu.memory_space<hbm>>
      %dma_start3A_504 = arith.constant 0 : i32
      %dma_start3A_505 = arith.constant 17 : i32
      %dma_start3A_506 = arith.constant 0 : i32
      %dma_start3A_507 = tpu.memref_slice %dma_start3A_503[%dma_start3A_504, %dma_start3A_505, %dma_start3A_506] : memref<1x77x512xf32, #tpu.memory_space<hbm>> -> memref<1x60x512xf32, #tpu.memory_space<hbm>>
      %dma_start3A_508 = arith.constant 0 : i32
      %dma_start3A_509 = arith.constant 0 : i32
      %dma_start3A_510 = tpu.memref_slice %arg4[%reduce_sum3A_465, %dma_start3A_508, %dma_start3A_509] : memref<1000x60x512xf32, #tpu.memory_space<hbm>> -> memref<1x60x512xf32, #tpu.memory_space<hbm>>
      tpu.enqueue_dma source(%dma_start3A_510 : memref<1x60x512xf32, #tpu.memory_space<hbm>>) target(%dma_start3A_507 : memref<1x60x512xf32, #tpu.memory_space<hbm>>) target_semaphore(%arg10 : memref<!tpu.dma_semaphore, #tpu.memory_space<semaphore_mem>>)
      %eq3A_511 = arith.constant 9 : i32
      %eq3A_512 = vector.broadcast %eq3A_511 : i32 to vector<16xi32>
      %eq3A_513 = arith.cmpi eq, %iota3A, %eq3A_512 : vector<16xi32>
      %jit3A_514 = arith.constant 0 : i32
      %broadcast_in_dim3A_515 = vector.broadcast %jit3A_514 : i32 to vector<16xi32>
      %select_n3A_516 = arith.select %eq3A_513, %get3A_19, %broadcast_in_dim3A_515 : vector<16xi1>, vector<16xi32>
      %reduce_sum3A_517 = arith.constant true
      %reduce_sum3A_518 = vector.broadcast %reduce_sum3A_517 : i1 to vector<16xi1>
      %reduce_sum3A_519 = tpu.scan <sum>, %select_n3A_516 masked %reduce_sum3A_518 : vector<16xi32>, vector<16xi1> -> vector<16xi32>
      %reduce_sum3A_520 = vector.extract %reduce_sum3A_519[15] : i32 from vector<16xi32>
      %eq3A_521 = arith.constant 9 : i32
      %eq3A_522 = vector.broadcast %eq3A_521 : i32 to vector<16xi32>
      %eq3A_523 = arith.cmpi eq, %iota3A, %eq3A_522 : vector<16xi32>
      %jit3A_524 = arith.constant 0 : i32
      %broadcast_in_dim3A_525 = vector.broadcast %jit3A_524 : i32 to vector<16xi32>
      %select_n3A_526 = arith.select %eq3A_523, %get3A_21, %broadcast_in_dim3A_525 : vector<16xi1>, vector<16xi32>
      %reduce_sum3A_527 = arith.constant true
      %reduce_sum3A_528 = vector.broadcast %reduce_sum3A_527 : i1 to vector<16xi1>
      %reduce_sum3A_529 = tpu.scan <sum>, %select_n3A_526 masked %reduce_sum3A_528 : vector<16xi32>, vector<16xi1> -> vector<16xi32>
      %reduce_sum3A_530 = vector.extract %reduce_sum3A_529[15] : i32 from vector<16xi32>
      %mul3A_531 = arith.constant 16 : i32
      %mul3A_532 = arith.muli %add3A_16, %mul3A_531 : i32
      %add3A_533 = arith.addi %mul3A_2, %mul3A_532 : i32
      %add3A_534 = arith.constant 9 : i32
      %add3A_535 = arith.addi %add3A_533, %add3A_534 : i32
      %dma_start3A_536 = arith.constant 0 : i32
      %dma_start3A_537 = arith.constant 0 : i32
      %dma_start3A_538 = tpu.memref_slice %arg7[%add3A_535, %dma_start3A_536, %dma_start3A_537] : memref<4096x77x512xf32, #tpu.memory_space<hbm>> -> memref<1x77x512xf32, #tpu.memory_space<hbm>>
      %dma_start3A_539 = arith.constant 0 : i32
      %dma_start3A_540 = arith.constant 0 : i32
      %dma_start3A_541 = arith.constant 0 : i32
      %dma_start3A_542 = tpu.memref_slice %dma_start3A_538[%dma_start3A_539, %dma_start3A_540, %dma_start3A_541] : memref<1x77x512xf32, #tpu.memory_space<hbm>> -> memref<1x1x512xf32, #tpu.memory_space<hbm>>
      %dma_start3A_543 = arith.constant 0 : i32
      %dma_start3A_544 = arith.constant 0 : i32
      %dma_start3A_545 = tpu.memref_slice %arg3[%reduce_sum3A_520, %dma_start3A_543, %dma_start3A_544] : memref<1000x1x512xf32, #tpu.memory_space<hbm>> -> memref<1x1x512xf32, #tpu.memory_space<hbm>>
      tpu.enqueue_dma source(%dma_start3A_545 : memref<1x1x512xf32, #tpu.memory_space<hbm>>) target(%dma_start3A_542 : memref<1x1x512xf32, #tpu.memory_space<hbm>>) target_semaphore(%arg10 : memref<!tpu.dma_semaphore, #tpu.memory_space<semaphore_mem>>)
      %dma_start3A_546 = arith.constant 0 : i32
      %dma_start3A_547 = arith.constant 0 : i32
      %dma_start3A_548 = tpu.memref_slice %arg7[%add3A_535, %dma_start3A_546, %dma_start3A_547] : memref<4096x77x512xf32, #tpu.memory_space<hbm>> -> memref<1x77x512xf32, #tpu.memory_space<hbm>>
      %dma_start3A_549 = arith.constant 0 : i32
      %dma_start3A_550 = arith.constant 1 : i32
      %dma_start3A_551 = arith.constant 0 : i32
      %dma_start3A_552 = tpu.memref_slice %dma_start3A_548[%dma_start3A_549, %dma_start3A_550, %dma_start3A_551] : memref<1x77x512xf32, #tpu.memory_space<hbm>> -> memref<1x16x512xf32, #tpu.memory_space<hbm>>
      %dma_start3A_553 = arith.constant 0 : i32
      %dma_start3A_554 = arith.constant 0 : i32
      %dma_start3A_555 = tpu.memref_slice %arg2[%reduce_sum3A_530, %dma_start3A_553, %dma_start3A_554] : memref<32x16x512xf32, #tpu.memory_space<hbm>> -> memref<1x16x512xf32, #tpu.memory_space<hbm>>
      tpu.enqueue_dma source(%dma_start3A_555 : memref<1x16x512xf32, #tpu.memory_space<hbm>>) target(%dma_start3A_552 : memref<1x16x512xf32, #tpu.memory_space<hbm>>) target_semaphore(%arg10 : memref<!tpu.dma_semaphore, #tpu.memory_space<semaphore_mem>>)
      %dma_start3A_556 = arith.constant 0 : i32
      %dma_start3A_557 = arith.constant 0 : i32
      %dma_start3A_558 = tpu.memref_slice %arg7[%add3A_535, %dma_start3A_556, %dma_start3A_557] : memref<4096x77x512xf32, #tpu.memory_space<hbm>> -> memref<1x77x512xf32, #tpu.memory_space<hbm>>
      %dma_start3A_559 = arith.constant 0 : i32
      %dma_start3A_560 = arith.constant 17 : i32
      %dma_start3A_561 = arith.constant 0 : i32
      %dma_start3A_562 = tpu.memref_slice %dma_start3A_558[%dma_start3A_559, %dma_start3A_560, %dma_start3A_561] : memref<1x77x512xf32, #tpu.memory_space<hbm>> -> memref<1x60x512xf32, #tpu.memory_space<hbm>>
      %dma_start3A_563 = arith.constant 0 : i32
      %dma_start3A_564 = arith.constant 0 : i32
      %dma_start3A_565 = tpu.memref_slice %arg4[%reduce_sum3A_520, %dma_start3A_563, %dma_start3A_564] : memref<1000x60x512xf32, #tpu.memory_space<hbm>> -> memref<1x60x512xf32, #tpu.memory_space<hbm>>
      tpu.enqueue_dma source(%dma_start3A_565 : memref<1x60x512xf32, #tpu.memory_space<hbm>>) target(%dma_start3A_562 : memref<1x60x512xf32, #tpu.memory_space<hbm>>) target_semaphore(%arg10 : memref<!tpu.dma_semaphore, #tpu.memory_space<semaphore_mem>>)
      %eq3A_566 = arith.constant 10 : i32
      %eq3A_567 = vector.broadcast %eq3A_566 : i32 to vector<16xi32>
      %eq3A_568 = arith.cmpi eq, %iota3A, %eq3A_567 : vector<16xi32>
      %jit3A_569 = arith.constant 0 : i32
      %broadcast_in_dim3A_570 = vector.broadcast %jit3A_569 : i32 to vector<16xi32>
      %select_n3A_571 = arith.select %eq3A_568, %get3A_19, %broadcast_in_dim3A_570 : vector<16xi1>, vector<16xi32>
      %reduce_sum3A_572 = arith.constant true
      %reduce_sum3A_573 = vector.broadcast %reduce_sum3A_572 : i1 to vector<16xi1>
      %reduce_sum3A_574 = tpu.scan <sum>, %select_n3A_571 masked %reduce_sum3A_573 : vector<16xi32>, vector<16xi1> -> vector<16xi32>
      %reduce_sum3A_575 = vector.extract %reduce_sum3A_574[15] : i32 from vector<16xi32>
      %eq3A_576 = arith.constant 10 : i32
      %eq3A_577 = vector.broadcast %eq3A_576 : i32 to vector<16xi32>
      %eq3A_578 = arith.cmpi eq, %iota3A, %eq3A_577 : vector<16xi32>
      %jit3A_579 = arith.constant 0 : i32
      %broadcast_in_dim3A_580 = vector.broadcast %jit3A_579 : i32 to vector<16xi32>
      %select_n3A_581 = arith.select %eq3A_578, %get3A_21, %broadcast_in_dim3A_580 : vector<16xi1>, vector<16xi32>
      %reduce_sum3A_582 = arith.constant true
      %reduce_sum3A_583 = vector.broadcast %reduce_sum3A_582 : i1 to vector<16xi1>
      %reduce_sum3A_584 = tpu.scan <sum>, %select_n3A_581 masked %reduce_sum3A_583 : vector<16xi32>, vector<16xi1> -> vector<16xi32>
      %reduce_sum3A_585 = vector.extract %reduce_sum3A_584[15] : i32 from vector<16xi32>
      %mul3A_586 = arith.constant 16 : i32
      %mul3A_587 = arith.muli %add3A_16, %mul3A_586 : i32
      %add3A_588 = arith.addi %mul3A_2, %mul3A_587 : i32
      %add3A_589 = arith.constant 10 : i32
      %add3A_590 = arith.addi %add3A_588, %add3A_589 : i32
      %dma_start3A_591 = arith.constant 0 : i32
      %dma_start3A_592 = arith.constant 0 : i32
      %dma_start3A_593 = tpu.memref_slice %arg7[%add3A_590, %dma_start3A_591, %dma_start3A_592] : memref<4096x77x512xf32, #tpu.memory_space<hbm>> -> memref<1x77x512xf32, #tpu.memory_space<hbm>>
      %dma_start3A_594 = arith.constant 0 : i32
      %dma_start3A_595 = arith.constant 0 : i32
      %dma_start3A_596 = arith.constant 0 : i32
      %dma_start3A_597 = tpu.memref_slice %dma_start3A_593[%dma_start3A_594, %dma_start3A_595, %dma_start3A_596] : memref<1x77x512xf32, #tpu.memory_space<hbm>> -> memref<1x1x512xf32, #tpu.memory_space<hbm>>
      %dma_start3A_598 = arith.constant 0 : i32
      %dma_start3A_599 = arith.constant 0 : i32
      %dma_start3A_600 = tpu.memref_slice %arg3[%reduce_sum3A_575, %dma_start3A_598, %dma_start3A_599] : memref<1000x1x512xf32, #tpu.memory_space<hbm>> -> memref<1x1x512xf32, #tpu.memory_space<hbm>>
      tpu.enqueue_dma source(%dma_start3A_600 : memref<1x1x512xf32, #tpu.memory_space<hbm>>) target(%dma_start3A_597 : memref<1x1x512xf32, #tpu.memory_space<hbm>>) target_semaphore(%arg10 : memref<!tpu.dma_semaphore, #tpu.memory_space<semaphore_mem>>)
      %dma_start3A_601 = arith.constant 0 : i32
      %dma_start3A_602 = arith.constant 0 : i32
      %dma_start3A_603 = tpu.memref_slice %arg7[%add3A_590, %dma_start3A_601, %dma_start3A_602] : memref<4096x77x512xf32, #tpu.memory_space<hbm>> -> memref<1x77x512xf32, #tpu.memory_space<hbm>>
      %dma_start3A_604 = arith.constant 0 : i32
      %dma_start3A_605 = arith.constant 1 : i32
      %dma_start3A_606 = arith.constant 0 : i32
      %dma_start3A_607 = tpu.memref_slice %dma_start3A_603[%dma_start3A_604, %dma_start3A_605, %dma_start3A_606] : memref<1x77x512xf32, #tpu.memory_space<hbm>> -> memref<1x16x512xf32, #tpu.memory_space<hbm>>
      %dma_start3A_608 = arith.constant 0 : i32
      %dma_start3A_609 = arith.constant 0 : i32
      %dma_start3A_610 = tpu.memref_slice %arg2[%reduce_sum3A_585, %dma_start3A_608, %dma_start3A_609] : memref<32x16x512xf32, #tpu.memory_space<hbm>> -> memref<1x16x512xf32, #tpu.memory_space<hbm>>
      tpu.enqueue_dma source(%dma_start3A_610 : memref<1x16x512xf32, #tpu.memory_space<hbm>>) target(%dma_start3A_607 : memref<1x16x512xf32, #tpu.memory_space<hbm>>) target_semaphore(%arg10 : memref<!tpu.dma_semaphore, #tpu.memory_space<semaphore_mem>>)
      %dma_start3A_611 = arith.constant 0 : i32
      %dma_start3A_612 = arith.constant 0 : i32
      %dma_start3A_613 = tpu.memref_slice %arg7[%add3A_590, %dma_start3A_611, %dma_start3A_612] : memref<4096x77x512xf32, #tpu.memory_space<hbm>> -> memref<1x77x512xf32, #tpu.memory_space<hbm>>
      %dma_start3A_614 = arith.constant 0 : i32
      %dma_start3A_615 = arith.constant 17 : i32
      %dma_start3A_616 = arith.constant 0 : i32
      %dma_start3A_617 = tpu.memref_slice %dma_start3A_613[%dma_start3A_614, %dma_start3A_615, %dma_start3A_616] : memref<1x77x512xf32, #tpu.memory_space<hbm>> -> memref<1x60x512xf32, #tpu.memory_space<hbm>>
      %dma_start3A_618 = arith.constant 0 : i32
      %dma_start3A_619 = arith.constant 0 : i32
      %dma_start3A_620 = tpu.memref_slice %arg4[%reduce_sum3A_575, %dma_start3A_618, %dma_start3A_619] : memref<1000x60x512xf32, #tpu.memory_space<hbm>> -> memref<1x60x512xf32, #tpu.memory_space<hbm>>
      tpu.enqueue_dma source(%dma_start3A_620 : memref<1x60x512xf32, #tpu.memory_space<hbm>>) target(%dma_start3A_617 : memref<1x60x512xf32, #tpu.memory_space<hbm>>) target_semaphore(%arg10 : memref<!tpu.dma_semaphore, #tpu.memory_space<semaphore_mem>>)
      %eq3A_621 = arith.constant 11 : i32
      %eq3A_622 = vector.broadcast %eq3A_621 : i32 to vector<16xi32>
      %eq3A_623 = arith.cmpi eq, %iota3A, %eq3A_622 : vector<16xi32>
      %jit3A_624 = arith.constant 0 : i32
      %broadcast_in_dim3A_625 = vector.broadcast %jit3A_624 : i32 to vector<16xi32>
      %select_n3A_626 = arith.select %eq3A_623, %get3A_19, %broadcast_in_dim3A_625 : vector<16xi1>, vector<16xi32>
      %reduce_sum3A_627 = arith.constant true
      %reduce_sum3A_628 = vector.broadcast %reduce_sum3A_627 : i1 to vector<16xi1>
      %reduce_sum3A_629 = tpu.scan <sum>, %select_n3A_626 masked %reduce_sum3A_628 : vector<16xi32>, vector<16xi1> -> vector<16xi32>
      %reduce_sum3A_630 = vector.extract %reduce_sum3A_629[15] : i32 from vector<16xi32>
      %eq3A_631 = arith.constant 11 : i32
      %eq3A_632 = vector.broadcast %eq3A_631 : i32 to vector<16xi32>
      %eq3A_633 = arith.cmpi eq, %iota3A, %eq3A_632 : vector<16xi32>
      %jit3A_634 = arith.constant 0 : i32
      %broadcast_in_dim3A_635 = vector.broadcast %jit3A_634 : i32 to vector<16xi32>
      %select_n3A_636 = arith.select %eq3A_633, %get3A_21, %broadcast_in_dim3A_635 : vector<16xi1>, vector<16xi32>
      %reduce_sum3A_637 = arith.constant true
      %reduce_sum3A_638 = vector.broadcast %reduce_sum3A_637 : i1 to vector<16xi1>
      %reduce_sum3A_639 = tpu.scan <sum>, %select_n3A_636 masked %reduce_sum3A_638 : vector<16xi32>, vector<16xi1> -> vector<16xi32>
      %reduce_sum3A_640 = vector.extract %reduce_sum3A_639[15] : i32 from vector<16xi32>
      %mul3A_641 = arith.constant 16 : i32
      %mul3A_642 = arith.muli %add3A_16, %mul3A_641 : i32
      %add3A_643 = arith.addi %mul3A_2, %mul3A_642 : i32
      %add3A_644 = arith.constant 11 : i32
      %add3A_645 = arith.addi %add3A_643, %add3A_644 : i32
      %dma_start3A_646 = arith.constant 0 : i32
      %dma_start3A_647 = arith.constant 0 : i32
      %dma_start3A_648 = tpu.memref_slice %arg7[%add3A_645, %dma_start3A_646, %dma_start3A_647] : memref<4096x77x512xf32, #tpu.memory_space<hbm>> -> memref<1x77x512xf32, #tpu.memory_space<hbm>>
      %dma_start3A_649 = arith.constant 0 : i32
      %dma_start3A_650 = arith.constant 0 : i32
      %dma_start3A_651 = arith.constant 0 : i32
      %dma_start3A_652 = tpu.memref_slice %dma_start3A_648[%dma_start3A_649, %dma_start3A_650, %dma_start3A_651] : memref<1x77x512xf32, #tpu.memory_space<hbm>> -> memref<1x1x512xf32, #tpu.memory_space<hbm>>
      %dma_start3A_653 = arith.constant 0 : i32
      %dma_start3A_654 = arith.constant 0 : i32
      %dma_start3A_655 = tpu.memref_slice %arg3[%reduce_sum3A_630, %dma_start3A_653, %dma_start3A_654] : memref<1000x1x512xf32, #tpu.memory_space<hbm>> -> memref<1x1x512xf32, #tpu.memory_space<hbm>>
      tpu.enqueue_dma source(%dma_start3A_655 : memref<1x1x512xf32, #tpu.memory_space<hbm>>) target(%dma_start3A_652 : memref<1x1x512xf32, #tpu.memory_space<hbm>>) target_semaphore(%arg10 : memref<!tpu.dma_semaphore, #tpu.memory_space<semaphore_mem>>)
      %dma_start3A_656 = arith.constant 0 : i32
      %dma_start3A_657 = arith.constant 0 : i32
      %dma_start3A_658 = tpu.memref_slice %arg7[%add3A_645, %dma_start3A_656, %dma_start3A_657] : memref<4096x77x512xf32, #tpu.memory_space<hbm>> -> memref<1x77x512xf32, #tpu.memory_space<hbm>>
      %dma_start3A_659 = arith.constant 0 : i32
      %dma_start3A_660 = arith.constant 1 : i32
      %dma_start3A_661 = arith.constant 0 : i32
      %dma_start3A_662 = tpu.memref_slice %dma_start3A_658[%dma_start3A_659, %dma_start3A_660, %dma_start3A_661] : memref<1x77x512xf32, #tpu.memory_space<hbm>> -> memref<1x16x512xf32, #tpu.memory_space<hbm>>
      %dma_start3A_663 = arith.constant 0 : i32
      %dma_start3A_664 = arith.constant 0 : i32
      %dma_start3A_665 = tpu.memref_slice %arg2[%reduce_sum3A_640, %dma_start3A_663, %dma_start3A_664] : memref<32x16x512xf32, #tpu.memory_space<hbm>> -> memref<1x16x512xf32, #tpu.memory_space<hbm>>
      tpu.enqueue_dma source(%dma_start3A_665 : memref<1x16x512xf32, #tpu.memory_space<hbm>>) target(%dma_start3A_662 : memref<1x16x512xf32, #tpu.memory_space<hbm>>) target_semaphore(%arg10 : memref<!tpu.dma_semaphore, #tpu.memory_space<semaphore_mem>>)
      %dma_start3A_666 = arith.constant 0 : i32
      %dma_start3A_667 = arith.constant 0 : i32
      %dma_start3A_668 = tpu.memref_slice %arg7[%add3A_645, %dma_start3A_666, %dma_start3A_667] : memref<4096x77x512xf32, #tpu.memory_space<hbm>> -> memref<1x77x512xf32, #tpu.memory_space<hbm>>
      %dma_start3A_669 = arith.constant 0 : i32
      %dma_start3A_670 = arith.constant 17 : i32
      %dma_start3A_671 = arith.constant 0 : i32
      %dma_start3A_672 = tpu.memref_slice %dma_start3A_668[%dma_start3A_669, %dma_start3A_670, %dma_start3A_671] : memref<1x77x512xf32, #tpu.memory_space<hbm>> -> memref<1x60x512xf32, #tpu.memory_space<hbm>>
      %dma_start3A_673 = arith.constant 0 : i32
      %dma_start3A_674 = arith.constant 0 : i32
      %dma_start3A_675 = tpu.memref_slice %arg4[%reduce_sum3A_630, %dma_start3A_673, %dma_start3A_674] : memref<1000x60x512xf32, #tpu.memory_space<hbm>> -> memref<1x60x512xf32, #tpu.memory_space<hbm>>
      tpu.enqueue_dma source(%dma_start3A_675 : memref<1x60x512xf32, #tpu.memory_space<hbm>>) target(%dma_start3A_672 : memref<1x60x512xf32, #tpu.memory_space<hbm>>) target_semaphore(%arg10 : memref<!tpu.dma_semaphore, #tpu.memory_space<semaphore_mem>>)
      %eq3A_676 = arith.constant 12 : i32
      %eq3A_677 = vector.broadcast %eq3A_676 : i32 to vector<16xi32>
      %eq3A_678 = arith.cmpi eq, %iota3A, %eq3A_677 : vector<16xi32>
      %jit3A_679 = arith.constant 0 : i32
      %broadcast_in_dim3A_680 = vector.broadcast %jit3A_679 : i32 to vector<16xi32>
      %select_n3A_681 = arith.select %eq3A_678, %get3A_19, %broadcast_in_dim3A_680 : vector<16xi1>, vector<16xi32>
      %reduce_sum3A_682 = arith.constant true
      %reduce_sum3A_683 = vector.broadcast %reduce_sum3A_682 : i1 to vector<16xi1>
      %reduce_sum3A_684 = tpu.scan <sum>, %select_n3A_681 masked %reduce_sum3A_683 : vector<16xi32>, vector<16xi1> -> vector<16xi32>
      %reduce_sum3A_685 = vector.extract %reduce_sum3A_684[15] : i32 from vector<16xi32>
      %eq3A_686 = arith.constant 12 : i32
      %eq3A_687 = vector.broadcast %eq3A_686 : i32 to vector<16xi32>
      %eq3A_688 = arith.cmpi eq, %iota3A, %eq3A_687 : vector<16xi32>
      %jit3A_689 = arith.constant 0 : i32
      %broadcast_in_dim3A_690 = vector.broadcast %jit3A_689 : i32 to vector<16xi32>
      %select_n3A_691 = arith.select %eq3A_688, %get3A_21, %broadcast_in_dim3A_690 : vector<16xi1>, vector<16xi32>
      %reduce_sum3A_692 = arith.constant true
      %reduce_sum3A_693 = vector.broadcast %reduce_sum3A_692 : i1 to vector<16xi1>
      %reduce_sum3A_694 = tpu.scan <sum>, %select_n3A_691 masked %reduce_sum3A_693 : vector<16xi32>, vector<16xi1> -> vector<16xi32>
      %reduce_sum3A_695 = vector.extract %reduce_sum3A_694[15] : i32 from vector<16xi32>
      %mul3A_696 = arith.constant 16 : i32
      %mul3A_697 = arith.muli %add3A_16, %mul3A_696 : i32
      %add3A_698 = arith.addi %mul3A_2, %mul3A_697 : i32
      %add3A_699 = arith.constant 12 : i32
      %add3A_700 = arith.addi %add3A_698, %add3A_699 : i32
      %dma_start3A_701 = arith.constant 0 : i32
      %dma_start3A_702 = arith.constant 0 : i32
      %dma_start3A_703 = tpu.memref_slice %arg7[%add3A_700, %dma_start3A_701, %dma_start3A_702] : memref<4096x77x512xf32, #tpu.memory_space<hbm>> -> memref<1x77x512xf32, #tpu.memory_space<hbm>>
      %dma_start3A_704 = arith.constant 0 : i32
      %dma_start3A_705 = arith.constant 0 : i32
      %dma_start3A_706 = arith.constant 0 : i32
      %dma_start3A_707 = tpu.memref_slice %dma_start3A_703[%dma_start3A_704, %dma_start3A_705, %dma_start3A_706] : memref<1x77x512xf32, #tpu.memory_space<hbm>> -> memref<1x1x512xf32, #tpu.memory_space<hbm>>
      %dma_start3A_708 = arith.constant 0 : i32
      %dma_start3A_709 = arith.constant 0 : i32
      %dma_start3A_710 = tpu.memref_slice %arg3[%reduce_sum3A_685, %dma_start3A_708, %dma_start3A_709] : memref<1000x1x512xf32, #tpu.memory_space<hbm>> -> memref<1x1x512xf32, #tpu.memory_space<hbm>>
      tpu.enqueue_dma source(%dma_start3A_710 : memref<1x1x512xf32, #tpu.memory_space<hbm>>) target(%dma_start3A_707 : memref<1x1x512xf32, #tpu.memory_space<hbm>>) target_semaphore(%arg10 : memref<!tpu.dma_semaphore, #tpu.memory_space<semaphore_mem>>)
      %dma_start3A_711 = arith.constant 0 : i32
      %dma_start3A_712 = arith.constant 0 : i32
      %dma_start3A_713 = tpu.memref_slice %arg7[%add3A_700, %dma_start3A_711, %dma_start3A_712] : memref<4096x77x512xf32, #tpu.memory_space<hbm>> -> memref<1x77x512xf32, #tpu.memory_space<hbm>>
      %dma_start3A_714 = arith.constant 0 : i32
      %dma_start3A_715 = arith.constant 1 : i32
      %dma_start3A_716 = arith.constant 0 : i32
      %dma_start3A_717 = tpu.memref_slice %dma_start3A_713[%dma_start3A_714, %dma_start3A_715, %dma_start3A_716] : memref<1x77x512xf32, #tpu.memory_space<hbm>> -> memref<1x16x512xf32, #tpu.memory_space<hbm>>
      %dma_start3A_718 = arith.constant 0 : i32
      %dma_start3A_719 = arith.constant 0 : i32
      %dma_start3A_720 = tpu.memref_slice %arg2[%reduce_sum3A_695, %dma_start3A_718, %dma_start3A_719] : memref<32x16x512xf32, #tpu.memory_space<hbm>> -> memref<1x16x512xf32, #tpu.memory_space<hbm>>
      tpu.enqueue_dma source(%dma_start3A_720 : memref<1x16x512xf32, #tpu.memory_space<hbm>>) target(%dma_start3A_717 : memref<1x16x512xf32, #tpu.memory_space<hbm>>) target_semaphore(%arg10 : memref<!tpu.dma_semaphore, #tpu.memory_space<semaphore_mem>>)
      %dma_start3A_721 = arith.constant 0 : i32
      %dma_start3A_722 = arith.constant 0 : i32
      %dma_start3A_723 = tpu.memref_slice %arg7[%add3A_700, %dma_start3A_721, %dma_start3A_722] : memref<4096x77x512xf32, #tpu.memory_space<hbm>> -> memref<1x77x512xf32, #tpu.memory_space<hbm>>
      %dma_start3A_724 = arith.constant 0 : i32
      %dma_start3A_725 = arith.constant 17 : i32
      %dma_start3A_726 = arith.constant 0 : i32
      %dma_start3A_727 = tpu.memref_slice %dma_start3A_723[%dma_start3A_724, %dma_start3A_725, %dma_start3A_726] : memref<1x77x512xf32, #tpu.memory_space<hbm>> -> memref<1x60x512xf32, #tpu.memory_space<hbm>>
      %dma_start3A_728 = arith.constant 0 : i32
      %dma_start3A_729 = arith.constant 0 : i32
      %dma_start3A_730 = tpu.memref_slice %arg4[%reduce_sum3A_685, %dma_start3A_728, %dma_start3A_729] : memref<1000x60x512xf32, #tpu.memory_space<hbm>> -> memref<1x60x512xf32, #tpu.memory_space<hbm>>
      tpu.enqueue_dma source(%dma_start3A_730 : memref<1x60x512xf32, #tpu.memory_space<hbm>>) target(%dma_start3A_727 : memref<1x60x512xf32, #tpu.memory_space<hbm>>) target_semaphore(%arg10 : memref<!tpu.dma_semaphore, #tpu.memory_space<semaphore_mem>>)
      %eq3A_731 = arith.constant 13 : i32
      %eq3A_732 = vector.broadcast %eq3A_731 : i32 to vector<16xi32>
      %eq3A_733 = arith.cmpi eq, %iota3A, %eq3A_732 : vector<16xi32>
      %jit3A_734 = arith.constant 0 : i32
      %broadcast_in_dim3A_735 = vector.broadcast %jit3A_734 : i32 to vector<16xi32>
      %select_n3A_736 = arith.select %eq3A_733, %get3A_19, %broadcast_in_dim3A_735 : vector<16xi1>, vector<16xi32>
      %reduce_sum3A_737 = arith.constant true
      %reduce_sum3A_738 = vector.broadcast %reduce_sum3A_737 : i1 to vector<16xi1>
      %reduce_sum3A_739 = tpu.scan <sum>, %select_n3A_736 masked %reduce_sum3A_738 : vector<16xi32>, vector<16xi1> -> vector<16xi32>
      %reduce_sum3A_740 = vector.extract %reduce_sum3A_739[15] : i32 from vector<16xi32>
      %eq3A_741 = arith.constant 13 : i32
      %eq3A_742 = vector.broadcast %eq3A_741 : i32 to vector<16xi32>
      %eq3A_743 = arith.cmpi eq, %iota3A, %eq3A_742 : vector<16xi32>
      %jit3A_744 = arith.constant 0 : i32
      %broadcast_in_dim3A_745 = vector.broadcast %jit3A_744 : i32 to vector<16xi32>
      %select_n3A_746 = arith.select %eq3A_743, %get3A_21, %broadcast_in_dim3A_745 : vector<16xi1>, vector<16xi32>
      %reduce_sum3A_747 = arith.constant true
      %reduce_sum3A_748 = vector.broadcast %reduce_sum3A_747 : i1 to vector<16xi1>
      %reduce_sum3A_749 = tpu.scan <sum>, %select_n3A_746 masked %reduce_sum3A_748 : vector<16xi32>, vector<16xi1> -> vector<16xi32>
      %reduce_sum3A_750 = vector.extract %reduce_sum3A_749[15] : i32 from vector<16xi32>
      %mul3A_751 = arith.constant 16 : i32
      %mul3A_752 = arith.muli %add3A_16, %mul3A_751 : i32
      %add3A_753 = arith.addi %mul3A_2, %mul3A_752 : i32
      %add3A_754 = arith.constant 13 : i32
      %add3A_755 = arith.addi %add3A_753, %add3A_754 : i32
      %dma_start3A_756 = arith.constant 0 : i32
      %dma_start3A_757 = arith.constant 0 : i32
      %dma_start3A_758 = tpu.memref_slice %arg7[%add3A_755, %dma_start3A_756, %dma_start3A_757] : memref<4096x77x512xf32, #tpu.memory_space<hbm>> -> memref<1x77x512xf32, #tpu.memory_space<hbm>>
      %dma_start3A_759 = arith.constant 0 : i32
      %dma_start3A_760 = arith.constant 0 : i32
      %dma_start3A_761 = arith.constant 0 : i32
      %dma_start3A_762 = tpu.memref_slice %dma_start3A_758[%dma_start3A_759, %dma_start3A_760, %dma_start3A_761] : memref<1x77x512xf32, #tpu.memory_space<hbm>> -> memref<1x1x512xf32, #tpu.memory_space<hbm>>
      %dma_start3A_763 = arith.constant 0 : i32
      %dma_start3A_764 = arith.constant 0 : i32
      %dma_start3A_765 = tpu.memref_slice %arg3[%reduce_sum3A_740, %dma_start3A_763, %dma_start3A_764] : memref<1000x1x512xf32, #tpu.memory_space<hbm>> -> memref<1x1x512xf32, #tpu.memory_space<hbm>>
      tpu.enqueue_dma source(%dma_start3A_765 : memref<1x1x512xf32, #tpu.memory_space<hbm>>) target(%dma_start3A_762 : memref<1x1x512xf32, #tpu.memory_space<hbm>>) target_semaphore(%arg10 : memref<!tpu.dma_semaphore, #tpu.memory_space<semaphore_mem>>)
      %dma_start3A_766 = arith.constant 0 : i32
      %dma_start3A_767 = arith.constant 0 : i32
      %dma_start3A_768 = tpu.memref_slice %arg7[%add3A_755, %dma_start3A_766, %dma_start3A_767] : memref<4096x77x512xf32, #tpu.memory_space<hbm>> -> memref<1x77x512xf32, #tpu.memory_space<hbm>>
      %dma_start3A_769 = arith.constant 0 : i32
      %dma_start3A_770 = arith.constant 1 : i32
      %dma_start3A_771 = arith.constant 0 : i32
      %dma_start3A_772 = tpu.memref_slice %dma_start3A_768[%dma_start3A_769, %dma_start3A_770, %dma_start3A_771] : memref<1x77x512xf32, #tpu.memory_space<hbm>> -> memref<1x16x512xf32, #tpu.memory_space<hbm>>
      %dma_start3A_773 = arith.constant 0 : i32
      %dma_start3A_774 = arith.constant 0 : i32
      %dma_start3A_775 = tpu.memref_slice %arg2[%reduce_sum3A_750, %dma_start3A_773, %dma_start3A_774] : memref<32x16x512xf32, #tpu.memory_space<hbm>> -> memref<1x16x512xf32, #tpu.memory_space<hbm>>
      tpu.enqueue_dma source(%dma_start3A_775 : memref<1x16x512xf32, #tpu.memory_space<hbm>>) target(%dma_start3A_772 : memref<1x16x512xf32, #tpu.memory_space<hbm>>) target_semaphore(%arg10 : memref<!tpu.dma_semaphore, #tpu.memory_space<semaphore_mem>>)
      %dma_start3A_776 = arith.constant 0 : i32
      %dma_start3A_777 = arith.constant 0 : i32
      %dma_start3A_778 = tpu.memref_slice %arg7[%add3A_755, %dma_start3A_776, %dma_start3A_777] : memref<4096x77x512xf32, #tpu.memory_space<hbm>> -> memref<1x77x512xf32, #tpu.memory_space<hbm>>
      %dma_start3A_779 = arith.constant 0 : i32
      %dma_start3A_780 = arith.constant 17 : i32
      %dma_start3A_781 = arith.constant 0 : i32
      %dma_start3A_782 = tpu.memref_slice %dma_start3A_778[%dma_start3A_779, %dma_start3A_780, %dma_start3A_781] : memref<1x77x512xf32, #tpu.memory_space<hbm>> -> memref<1x60x512xf32, #tpu.memory_space<hbm>>
      %dma_start3A_783 = arith.constant 0 : i32
      %dma_start3A_784 = arith.constant 0 : i32
      %dma_start3A_785 = tpu.memref_slice %arg4[%reduce_sum3A_740, %dma_start3A_783, %dma_start3A_784] : memref<1000x60x512xf32, #tpu.memory_space<hbm>> -> memref<1x60x512xf32, #tpu.memory_space<hbm>>
      tpu.enqueue_dma source(%dma_start3A_785 : memref<1x60x512xf32, #tpu.memory_space<hbm>>) target(%dma_start3A_782 : memref<1x60x512xf32, #tpu.memory_space<hbm>>) target_semaphore(%arg10 : memref<!tpu.dma_semaphore, #tpu.memory_space<semaphore_mem>>)
      %eq3A_786 = arith.constant 14 : i32
      %eq3A_787 = vector.broadcast %eq3A_786 : i32 to vector<16xi32>
      %eq3A_788 = arith.cmpi eq, %iota3A, %eq3A_787 : vector<16xi32>
      %jit3A_789 = arith.constant 0 : i32
      %broadcast_in_dim3A_790 = vector.broadcast %jit3A_789 : i32 to vector<16xi32>
      %select_n3A_791 = arith.select %eq3A_788, %get3A_19, %broadcast_in_dim3A_790 : vector<16xi1>, vector<16xi32>
      %reduce_sum3A_792 = arith.constant true
      %reduce_sum3A_793 = vector.broadcast %reduce_sum3A_792 : i1 to vector<16xi1>
      %reduce_sum3A_794 = tpu.scan <sum>, %select_n3A_791 masked %reduce_sum3A_793 : vector<16xi32>, vector<16xi1> -> vector<16xi32>
      %reduce_sum3A_795 = vector.extract %reduce_sum3A_794[15] : i32 from vector<16xi32>
      %eq3A_796 = arith.constant 14 : i32
      %eq3A_797 = vector.broadcast %eq3A_796 : i32 to vector<16xi32>
      %eq3A_798 = arith.cmpi eq, %iota3A, %eq3A_797 : vector<16xi32>
      %jit3A_799 = arith.constant 0 : i32
      %broadcast_in_dim3A_800 = vector.broadcast %jit3A_799 : i32 to vector<16xi32>
      %select_n3A_801 = arith.select %eq3A_798, %get3A_21, %broadcast_in_dim3A_800 : vector<16xi1>, vector<16xi32>
      %reduce_sum3A_802 = arith.constant true
      %reduce_sum3A_803 = vector.broadcast %reduce_sum3A_802 : i1 to vector<16xi1>
      %reduce_sum3A_804 = tpu.scan <sum>, %select_n3A_801 masked %reduce_sum3A_803 : vector<16xi32>, vector<16xi1> -> vector<16xi32>
      %reduce_sum3A_805 = vector.extract %reduce_sum3A_804[15] : i32 from vector<16xi32>
      %mul3A_806 = arith.constant 16 : i32
      %mul3A_807 = arith.muli %add3A_16, %mul3A_806 : i32
      %add3A_808 = arith.addi %mul3A_2, %mul3A_807 : i32
      %add3A_809 = arith.constant 14 : i32
      %add3A_810 = arith.addi %add3A_808, %add3A_809 : i32
      %dma_start3A_811 = arith.constant 0 : i32
      %dma_start3A_812 = arith.constant 0 : i32
      %dma_start3A_813 = tpu.memref_slice %arg7[%add3A_810, %dma_start3A_811, %dma_start3A_812] : memref<4096x77x512xf32, #tpu.memory_space<hbm>> -> memref<1x77x512xf32, #tpu.memory_space<hbm>>
      %dma_start3A_814 = arith.constant 0 : i32
      %dma_start3A_815 = arith.constant 0 : i32
      %dma_start3A_816 = arith.constant 0 : i32
      %dma_start3A_817 = tpu.memref_slice %dma_start3A_813[%dma_start3A_814, %dma_start3A_815, %dma_start3A_816] : memref<1x77x512xf32, #tpu.memory_space<hbm>> -> memref<1x1x512xf32, #tpu.memory_space<hbm>>
      %dma_start3A_818 = arith.constant 0 : i32
      %dma_start3A_819 = arith.constant 0 : i32
      %dma_start3A_820 = tpu.memref_slice %arg3[%reduce_sum3A_795, %dma_start3A_818, %dma_start3A_819] : memref<1000x1x512xf32, #tpu.memory_space<hbm>> -> memref<1x1x512xf32, #tpu.memory_space<hbm>>
      tpu.enqueue_dma source(%dma_start3A_820 : memref<1x1x512xf32, #tpu.memory_space<hbm>>) target(%dma_start3A_817 : memref<1x1x512xf32, #tpu.memory_space<hbm>>) target_semaphore(%arg10 : memref<!tpu.dma_semaphore, #tpu.memory_space<semaphore_mem>>)
      %dma_start3A_821 = arith.constant 0 : i32
      %dma_start3A_822 = arith.constant 0 : i32
      %dma_start3A_823 = tpu.memref_slice %arg7[%add3A_810, %dma_start3A_821, %dma_start3A_822] : memref<4096x77x512xf32, #tpu.memory_space<hbm>> -> memref<1x77x512xf32, #tpu.memory_space<hbm>>
      %dma_start3A_824 = arith.constant 0 : i32
      %dma_start3A_825 = arith.constant 1 : i32
      %dma_start3A_826 = arith.constant 0 : i32
      %dma_start3A_827 = tpu.memref_slice %dma_start3A_823[%dma_start3A_824, %dma_start3A_825, %dma_start3A_826] : memref<1x77x512xf32, #tpu.memory_space<hbm>> -> memref<1x16x512xf32, #tpu.memory_space<hbm>>
      %dma_start3A_828 = arith.constant 0 : i32
      %dma_start3A_829 = arith.constant 0 : i32
      %dma_start3A_830 = tpu.memref_slice %arg2[%reduce_sum3A_805, %dma_start3A_828, %dma_start3A_829] : memref<32x16x512xf32, #tpu.memory_space<hbm>> -> memref<1x16x512xf32, #tpu.memory_space<hbm>>
      tpu.enqueue_dma source(%dma_start3A_830 : memref<1x16x512xf32, #tpu.memory_space<hbm>>) target(%dma_start3A_827 : memref<1x16x512xf32, #tpu.memory_space<hbm>>) target_semaphore(%arg10 : memref<!tpu.dma_semaphore, #tpu.memory_space<semaphore_mem>>)
      %dma_start3A_831 = arith.constant 0 : i32
      %dma_start3A_832 = arith.constant 0 : i32
      %dma_start3A_833 = tpu.memref_slice %arg7[%add3A_810, %dma_start3A_831, %dma_start3A_832] : memref<4096x77x512xf32, #tpu.memory_space<hbm>> -> memref<1x77x512xf32, #tpu.memory_space<hbm>>
      %dma_start3A_834 = arith.constant 0 : i32
      %dma_start3A_835 = arith.constant 17 : i32
      %dma_start3A_836 = arith.constant 0 : i32
      %dma_start3A_837 = tpu.memref_slice %dma_start3A_833[%dma_start3A_834, %dma_start3A_835, %dma_start3A_836] : memref<1x77x512xf32, #tpu.memory_space<hbm>> -> memref<1x60x512xf32, #tpu.memory_space<hbm>>
      %dma_start3A_838 = arith.constant 0 : i32
      %dma_start3A_839 = arith.constant 0 : i32
      %dma_start3A_840 = tpu.memref_slice %arg4[%reduce_sum3A_795, %dma_start3A_838, %dma_start3A_839] : memref<1000x60x512xf32, #tpu.memory_space<hbm>> -> memref<1x60x512xf32, #tpu.memory_space<hbm>>
      tpu.enqueue_dma source(%dma_start3A_840 : memref<1x60x512xf32, #tpu.memory_space<hbm>>) target(%dma_start3A_837 : memref<1x60x512xf32, #tpu.memory_space<hbm>>) target_semaphore(%arg10 : memref<!tpu.dma_semaphore, #tpu.memory_space<semaphore_mem>>)
      %eq3A_841 = arith.constant 15 : i32
      %eq3A_842 = vector.broadcast %eq3A_841 : i32 to vector<16xi32>
      %eq3A_843 = arith.cmpi eq, %iota3A, %eq3A_842 : vector<16xi32>
      %jit3A_844 = arith.constant 0 : i32
      %broadcast_in_dim3A_845 = vector.broadcast %jit3A_844 : i32 to vector<16xi32>
      %select_n3A_846 = arith.select %eq3A_843, %get3A_19, %broadcast_in_dim3A_845 : vector<16xi1>, vector<16xi32>
      %reduce_sum3A_847 = arith.constant true
      %reduce_sum3A_848 = vector.broadcast %reduce_sum3A_847 : i1 to vector<16xi1>
      %reduce_sum3A_849 = tpu.scan <sum>, %select_n3A_846 masked %reduce_sum3A_848 : vector<16xi32>, vector<16xi1> -> vector<16xi32>
      %reduce_sum3A_850 = vector.extract %reduce_sum3A_849[15] : i32 from vector<16xi32>
      %eq3A_851 = arith.constant 15 : i32
      %eq3A_852 = vector.broadcast %eq3A_851 : i32 to vector<16xi32>
      %eq3A_853 = arith.cmpi eq, %iota3A, %eq3A_852 : vector<16xi32>
      %jit3A_854 = arith.constant 0 : i32
      %broadcast_in_dim3A_855 = vector.broadcast %jit3A_854 : i32 to vector<16xi32>
      %select_n3A_856 = arith.select %eq3A_853, %get3A_21, %broadcast_in_dim3A_855 : vector<16xi1>, vector<16xi32>
      %reduce_sum3A_857 = arith.constant true
      %reduce_sum3A_858 = vector.broadcast %reduce_sum3A_857 : i1 to vector<16xi1>
      %reduce_sum3A_859 = tpu.scan <sum>, %select_n3A_856 masked %reduce_sum3A_858 : vector<16xi32>, vector<16xi1> -> vector<16xi32>
      %reduce_sum3A_860 = vector.extract %reduce_sum3A_859[15] : i32 from vector<16xi32>
      %mul3A_861 = arith.constant 16 : i32
      %mul3A_862 = arith.muli %add3A_16, %mul3A_861 : i32
      %add3A_863 = arith.addi %mul3A_2, %mul3A_862 : i32
      %add3A_864 = arith.constant 15 : i32
      %add3A_865 = arith.addi %add3A_863, %add3A_864 : i32
      %dma_start3A_866 = arith.constant 0 : i32
      %dma_start3A_867 = arith.constant 0 : i32
      %dma_start3A_868 = tpu.memref_slice %arg7[%add3A_865, %dma_start3A_866, %dma_start3A_867] : memref<4096x77x512xf32, #tpu.memory_space<hbm>> -> memref<1x77x512xf32, #tpu.memory_space<hbm>>
      %dma_start3A_869 = arith.constant 0 : i32
      %dma_start3A_870 = arith.constant 0 : i32
      %dma_start3A_871 = arith.constant 0 : i32
      %dma_start3A_872 = tpu.memref_slice %dma_start3A_868[%dma_start3A_869, %dma_start3A_870, %dma_start3A_871] : memref<1x77x512xf32, #tpu.memory_space<hbm>> -> memref<1x1x512xf32, #tpu.memory_space<hbm>>
      %dma_start3A_873 = arith.constant 0 : i32
      %dma_start3A_874 = arith.constant 0 : i32
      %dma_start3A_875 = tpu.memref_slice %arg3[%reduce_sum3A_850, %dma_start3A_873, %dma_start3A_874] : memref<1000x1x512xf32, #tpu.memory_space<hbm>> -> memref<1x1x512xf32, #tpu.memory_space<hbm>>
      tpu.enqueue_dma source(%dma_start3A_875 : memref<1x1x512xf32, #tpu.memory_space<hbm>>) target(%dma_start3A_872 : memref<1x1x512xf32, #tpu.memory_space<hbm>>) target_semaphore(%arg10 : memref<!tpu.dma_semaphore, #tpu.memory_space<semaphore_mem>>)
      %dma_start3A_876 = arith.constant 0 : i32
      %dma_start3A_877 = arith.constant 0 : i32
      %dma_start3A_878 = tpu.memref_slice %arg7[%add3A_865, %dma_start3A_876, %dma_start3A_877] : memref<4096x77x512xf32, #tpu.memory_space<hbm>> -> memref<1x77x512xf32, #tpu.memory_space<hbm>>
      %dma_start3A_879 = arith.constant 0 : i32
      %dma_start3A_880 = arith.constant 1 : i32
      %dma_start3A_881 = arith.constant 0 : i32
      %dma_start3A_882 = tpu.memref_slice %dma_start3A_878[%dma_start3A_879, %dma_start3A_880, %dma_start3A_881] : memref<1x77x512xf32, #tpu.memory_space<hbm>> -> memref<1x16x512xf32, #tpu.memory_space<hbm>>
      %dma_start3A_883 = arith.constant 0 : i32
      %dma_start3A_884 = arith.constant 0 : i32
      %dma_start3A_885 = tpu.memref_slice %arg2[%reduce_sum3A_860, %dma_start3A_883, %dma_start3A_884] : memref<32x16x512xf32, #tpu.memory_space<hbm>> -> memref<1x16x512xf32, #tpu.memory_space<hbm>>
      tpu.enqueue_dma source(%dma_start3A_885 : memref<1x16x512xf32, #tpu.memory_space<hbm>>) target(%dma_start3A_882 : memref<1x16x512xf32, #tpu.memory_space<hbm>>) target_semaphore(%arg10 : memref<!tpu.dma_semaphore, #tpu.memory_space<semaphore_mem>>)
      %dma_start3A_886 = arith.constant 0 : i32
      %dma_start3A_887 = arith.constant 0 : i32
      %dma_start3A_888 = tpu.memref_slice %arg7[%add3A_865, %dma_start3A_886, %dma_start3A_887] : memref<4096x77x512xf32, #tpu.memory_space<hbm>> -> memref<1x77x512xf32, #tpu.memory_space<hbm>>
      %dma_start3A_889 = arith.constant 0 : i32
      %dma_start3A_890 = arith.constant 17 : i32
      %dma_start3A_891 = arith.constant 0 : i32
      %dma_start3A_892 = tpu.memref_slice %dma_start3A_888[%dma_start3A_889, %dma_start3A_890, %dma_start3A_891] : memref<1x77x512xf32, #tpu.memory_space<hbm>> -> memref<1x60x512xf32, #tpu.memory_space<hbm>>
      %dma_start3A_893 = arith.constant 0 : i32
      %dma_start3A_894 = arith.constant 0 : i32
      %dma_start3A_895 = tpu.memref_slice %arg4[%reduce_sum3A_850, %dma_start3A_893, %dma_start3A_894] : memref<1000x60x512xf32, #tpu.memory_space<hbm>> -> memref<1x60x512xf32, #tpu.memory_space<hbm>>
      tpu.enqueue_dma source(%dma_start3A_895 : memref<1x60x512xf32, #tpu.memory_space<hbm>>) target(%dma_start3A_892 : memref<1x60x512xf32, #tpu.memory_space<hbm>>) target_semaphore(%arg10 : memref<!tpu.dma_semaphore, #tpu.memory_space<semaphore_mem>>)
    }
    %scan3A_6 = arith.constant 8 : i32
    %dma_wait3A = arith.constant 0 : i32
    %dma_wait3A_7 = arith.constant 0 : i32
    %dma_wait3A_8 = tpu.memref_slice %arg7[%mul3A_2, %dma_wait3A, %dma_wait3A_7] : memref<4096x77x512xf32, #tpu.memory_space<hbm>> -> memref<128x77x512xf32, #tpu.memory_space<hbm>>
    %dma_wait3A_9 = arith.constant 0 : i32
    %dma_wait3A_10 = arith.constant 0 : i32
    %dma_wait3A_11 = tpu.memref_slice %arg7[%mul3A_2, %dma_wait3A_9, %dma_wait3A_10] : memref<4096x77x512xf32, #tpu.memory_space<hbm>> -> memref<128x77x512xf32, #tpu.memory_space<hbm>>
    tpu.wait_dma2 semaphore(%arg10 : memref<!tpu.dma_semaphore, #tpu.memory_space<semaphore_mem>>) src(%dma_wait3A_11 : memref<128x77x512xf32, #tpu.memory_space<hbm>>) dst(%dma_wait3A_8 : memref<128x77x512xf32, #tpu.memory_space<hbm>>)
    return
  }
}

</mosaic_0001>

<sc_bundles>
// kernel: kernel.3.cloned.1.call-start
scs
__scs_entry_jumppad:
0x0: {  	(pc) =	sbr.rel $0x88, $3  }
0x1: {  	(tag) =	ssettag $0x0;
	lr =	simm.s32 $0x1  }
0x2: {  	[smem:$0x3F9C] =	sst lr;
	_ =	strace $0xD0000000  }
0x3: {  	_ = 	snop  }
0x4: {  	_ = 	snop  }
0x5: {  	_ = 	snop  }
0x6: {  	_ = 	snop  }
0x7: {  	_ = 	snop  }
__scs_overlays_trampoline_lowered:
0x8: {  	[smem:$0x3FAB] =	sst s0  }
0x9: {  	[smem:$0x3FAC] =	sst s1  }
0xa: {  	[smem:$0x3FAD] =	sst s2  }
0xb: {  	[smem:$0x3FAE] =	sst s3  }
0xc: {  	[smem:$0x3FAF] =	sst s4  }
0xd: {  	[smem:$0x3FB0] =	sst s5  }
0xe: {  	[smem:$0x3FB1] =	sst s6  }
0xf: {  	[smem:$0x3FB2] =	sst s7  }
0x10: {  	[smem:$0x3FB3] =	sst s8  }
0x11: {  	[smem:$0x3FB4] =	sst s9;
	s0 =	simm.s32 @!p0 $0x0  }
0x12: {  	s1 =	sld [smem:$0x3F9A];
	s0 =	simm.s32 @p0 $0x1  }
0x13: {  	[smem:$0x3FB5] =	sst s0;
	s0 =	simm.s32 @!p1 $0x0  }
0x14: {  	s2 =	sld [smem:$0x3F99];
	s0 =	simm.s32 @p1 $0x1  }
0x15: {  	[smem:$0x3FB6] =	sst s0;
	s0 =	simm.s32 @!p2 $0x0  }
0x16: {  	s3 =	sld [smem:$0x3FDB];
	s0 =	simm.s32 @p2 $0x1  }
0x17: {  	s4 =	simm.s32 $0x1BF5;
	[smem:$0x3FB8] =	sst s0  }
0x18: {  	s0 =	sld [smem:$0x3F9B];
	_ =	swait.ge [sflag:s4], $0x0  }
0x19: {  	s7 =	sld [smem:$0x3F9C]  }
0x1a: {  	s8 =	sadd.s32 $0xFFFFE003, lr  }
0x1b: {  	s9 =	sadd.s32 $0xFFFFFEF7, lr;
	s5 =	simm.s32 $0xFFFFFFFF;
	p2 =	slt.u32 s8, $0xFFFFF086  }
0x1c: {  	p1 =	slt.u32 s9, $0xF7A;
	s5 =	simm.s32 @!p2 $0x0  }
0x1d: {  	s5 =	simm.s32 @p1 $0x1;
	p0 =	seq.s32 s7, s2  }
0x1e: {  	s7 =	smul.u32 @!p0 $0xF7A, s2;
	p2 =	seq.s32 @!p0 s5, $0x0  }
0x1f: {  	s9 =	smul.u32 $0xF7A, s1;
	s8 =	simm.s32 @!p0 $0x1BF5;
	p2 =	por !p2, p0  }
0x20: {  	[sflag:s8] =	ssyncset.s32 @!p0 $0xFFFFF086;
	s6 =	sadd.s32 @!p0 s3, s7;
	s7 =	simm.s32 @!p0 $0x108  }
0x21: {  	s3 =	sadd.s32 s3, s9;
	s6 =	sadd.s32 @!p0 $0x88, s6;
	s7 =	simm.s32 @p2 $0x1082  }
0x22: {  	[simem:s7], [sflag:s8] =	dma.local @!p0 [hbm:s6], $0xF7A  }
0x23: {  	s9 =	sor.u32 $0xD0000000, s2;
	s6 =	simm.s32 $0x108;
	_ =	swait.ge @!p0 [sflag:s8], $0x0  }
0x24: {  	s3 =	sadd.s32 $0x88, s3;
	s6 =	simm.s32 @!p1 $0x1082;
	[sflag:s4] =	ssyncset.s32 $0xFFFFF086  }
0x25: {  	[simem:s6], [sflag:s4] =	dma.local [hbm:s3], $0xF7A  }
0x26: {  	[smem:$0x3F9C] =	sst s1;
	(tag) =	ssettag s2;
	_ =	strace s9  }
0x27: {  	s1 =	sld [smem:$0x3FAC]  }
0x28: {  	s2 =	sld [smem:$0x3FAD]  }
0x29: {  	s4 =	sld [smem:$0x3FAF]  }
0x2a: {  	p0 =	seq.s32 s5, $0x0;
	s5 =	sld [smem:$0x3FB0]  }
0x2b: {  	s6 =	sld [smem:$0x3FB1]  }
0x2c: {  	s7 =	sld [smem:$0x3FB2]  }
0x2d: {  	s3 =	simm.s32 $0x108;
	s8 =	sld [smem:$0x3FB3]  }
0x2e: {  	s3 =	simm.s32 @!p0 $0x1082;
	s9 =	sld [smem:$0x3FB4]  }
0x2f: {  	lr =	sadd.s32 s0, s3;
	s0 =	sld [smem:$0x3FAB]  }
0x30: {  	s3 =	sld [smem:$0x3FAE]  }
0x31: {  	[smem:$0x3FB7] =	sst s10  }
0x32: {  	s10 =	sld [smem:$0x3FB5];
	_ =	sdelay $0x3  }
0x33: {  	p0 =	seq.s32 s10, $0x1;
	s10 =	sld [smem:$0x3FB7];
	_ =	sdelay $0x3  }
0x34: {  	[smem:$0x3FB7] =	sst s10  }
0x35: {  	s10 =	sld [smem:$0x3FB6];
	_ =	sdelay $0x3  }
0x36: {  	p1 =	seq.s32 s10, $0x1;
	s10 =	sld [smem:$0x3FB7];
	_ =	sdelay $0x3  }
0x37: {  	[smem:$0x3FB7] =	sst s10  }
0x38: {  	s10 =	sld [smem:$0x3FB8]  }
0x39: {  	_ = 	snop;
	(pc) =	sbr.ind lr, $3  }
0x3a: {  	_ = 	snop  }
0x3b: {  	_ = 	snop  }
0x3c: {  	p2 =	seq.s32 s10, $0x1;
	s10 =	sld [smem:$0x3FB7]  }
0x3d: {  	_ =	shalt  }
0x3e: {  	_ =	shalt  }
0x3f: {  	_ =	shalt  }
0x40: {  	_ =	shalt  }
0x41: {  	_ =	shalt  }
0x42: {  	_ =	shalt  }
0x43: {  	_ =	shalt  }
0x44: {  	_ =	shalt  }
0x45: {  	_ =	shalt  }
0x46: {  	_ =	shalt  }
0x47: {  	_ =	shalt  }
0x48: {  	_ =	shalt  }
0x49: {  	_ =	shalt  }
0x4a: {  	_ =	shalt  }
0x4b: {  	_ =	shalt  }
0x4c: {  	_ =	shalt  }
0x4d: {  	_ =	shalt  }
0x4e: {  	_ =	shalt  }
0x4f: {  	_ =	shalt  }
0x50: {  	_ =	shalt  }
0x51: {  	_ =	shalt  }
0x52: {  	_ =	shalt  }
0x53: {  	_ =	shalt  }
0x54: {  	_ =	shalt  }
0x55: {  	_ =	shalt  }
0x56: {  	_ =	shalt  }
0x57: {  	_ =	shalt  }
0x58: {  	_ =	shalt  }
0x59: {  	_ =	shalt  }
0x5a: {  	_ =	shalt  }
0x5b: {  	_ =	shalt  }
0x5c: {  	_ =	shalt  }
0x5d: {  	_ =	shalt  }
0x5e: {  	_ =	shalt  }
0x5f: {  	_ =	shalt  }
0x60: {  	_ =	shalt  }
0x61: {  	_ =	shalt  }
0x62: {  	_ =	shalt  }
0x63: {  	_ =	shalt  }
0x64: {  	_ =	shalt  }
0x65: {  	_ =	shalt  }
0x66: {  	_ =	shalt  }
0x67: {  	_ =	shalt  }
0x68: {  	_ =	shalt  }
0x69: {  	_ =	shalt  }
0x6a: {  	_ =	shalt  }
0x6b: {  	_ =	shalt  }
0x6c: {  	_ =	shalt  }
0x6d: {  	_ =	shalt  }
0x6e: {  	_ =	shalt  }
0x6f: {  	_ =	shalt  }
0x70: {  	_ =	shalt  }
0x71: {  	_ =	shalt  }
0x72: {  	_ =	shalt  }
0x73: {  	_ =	shalt  }
0x74: {  	_ =	shalt  }
0x75: {  	_ =	shalt  }
0x76: {  	_ =	shalt  }
0x77: {  	_ =	shalt  }
0x78: {  	_ =	shalt  }
0x79: {  	_ =	shalt  }
0x7a: {  	_ =	shalt  }
0x7b: {  	_ =	shalt  }
0x7c: {  	_ =	shalt  }
0x7d: {  	_ =	shalt  }
0x7e: {  	_ =	shalt  }
0x7f: {  	_ =	shalt  }
0x80: {  	_ =	shalt  }
0x81: {  	_ =	shalt  }
0x82: {  	_ =	shalt  }
0x83: {  	_ =	shalt  }
0x84: {  	_ =	shalt  }
0x85: {  	_ =	shalt  }
0x86: {  	_ =	shalt  }
0x87: {  	_ =	shalt  }
.Lfunc_end0:
.L_simem_size_0:
called_computation.1_lowered:
.L_overlay_start_0:
0x88: {  	s2 =	sld [smem:$0x3FD9]  }
0x89: {  	s3 =	sld [smem:$0x3FFE];
	_ =	sdelay $0x1  }
0x8a: {  	s1 =	srdreg.scid  }
0x8b: {  	s0 =	sand.u32 $0x1, s1  }
0x8c: {  	s17 =	sshll.u32 s0, $0xA;
	s2 =	sadd.s32 s3, s2  }
0x8d: {  	s2 =	sadd.s32 s2, s17  }
0x8e: {  	[smem:$0x3FC3] =	sst s2  }
0x8f: {  	_ = 	snop  }
0x90: {  	s2 =	sld [smem:$0x3FC8]  }
0x91: {  	s18 =	sld [smem:$0x3FC6]  }
0x92: {  	s4 =	sld [smem:$0x3FC5]  }
0x93: {  	s5 =	sld [smem:$0x3FD0];
	(tm) =	ssettm $0x1  }
0x94: {  	s6 =	sld [smem:$0x3FFB];
	_ =	sdelay $0x3  }
0x95: {  	_ =	strace s6  }
0x96: {  	s6 =	sld [smem:$0x3FFC];
	_ =	sdelay $0x3  }
0x97: {  	_ =	strace s6  }
0x98: {  	s6 =	sld [smem:$0x3FFD];
	_ =	sdelay $0x3  }
0x99: {  	_ =	strace s6  }
0x9a: {  	_ =	strace $0x8FFFFFFF  }
0x9b: {  	s19 =	sld [smem:$0x3FDB];
	_ =	sdelay $0x1  }
0x9c: {  	s7 =	simm.s32 $_scs_section_size  }
0x9d: {  	s8 =	simm.s32 $_size__tile_overlayer_lowered;
	s9 =	simm.s32 $_tile_overlayer_lowered  }
0x9e: {  	s22 =	simm.s32 $0x1BFF;
	s21 =	sshll.u32 s9, $0x1;
	s6 =	sadd.s32 s7, s19  }
0x9f: {  	s10 =	simm.s32 $0x0;
	s20 =	sshll.u32 s8, $0x1;
	s8 =	sadd.s32 s21, s6  }
0xa0: {  	[timem:s10], [sflag:s22] =	dma.local [hbm:s8], s20  }
0xa1: {  	_ =	swait.ge [sflag:s22], s20  }
0xa2: {  	s7 =	ssub.s32 $0x0, s20;
	[sflag:s22] =	ssyncset.done $0x0  }
0xa3: {  	[sflag:s22] =	ssyncadd.s32 s7;
	_ =	sdelay $0x1  }
0xa4: {  	s23 =	simm.s32 $0x1B8B  }
0xa5: {  	_ =	swait.ge [sflag:s23], $0x1  }
0xa6: {  	[sflag:s23] =	ssyncset.done $0x0  }
0xa7: {  	s25 =	simm.s32 $0x1B8E;
	s24 =	sld [smem:$0x3FFE];
	[sflag:s23] =	ssyncadd.s32 $0xFFFFFFFF  }
0xa8: {  	s26 =	simm.s32 $execute0_lowered;
	[smem:$0x3FD2] =	sst s25  }
0xa9: {  	s8 =	sshll.u32 s26, $0x1;
	_ =	strace $0x80000046;
	[dreg:$0x1] =	wrdreg $0xFFFFFFFF  }
0xaa: {  	s28 =	simm.s32 $_size_execute0_lowered;
	s6 =	sadd.s32 s6, s8;
	[dreg:$0x0] =	wrdreg $0x0  }
0xab: {  	s8 =	sshll.u32 s28, $0x1;
	[dreg:$0x2] =	wrdreg s6  }
0xac: {  	[dreg:$0x3] =	wrdreg s8  }
0xad: {  	[dreg:$0x4] =	wrdreg $0xC0  }
0xae: {  	_ =	task [dreg:s10], $0x5FFFF  }
0xaf: {  	[dreg:$0x1] =	wrdreg $0xFFFFFFFF  }
0xb0: {  	[dreg:$0x0] =	wrdreg $0x60  }
0xb1: {  	[dreg:$0x2] =	wrdreg s24  }
0xb2: {  	[dreg:$0x3] =	wrdreg s2  }
0xb3: {  	[dreg:$0x4] =	wrdreg s18  }
0xb4: {  	[dreg:$0x5] =	wrdreg s4  }
0xb5: {  	[dreg:$0x6] =	wrdreg s5  }
0xb6: {  	[dreg:$0x7] =	wrdreg $0x9  }
0xb7: {  	_ =	task.clear_ibuf [dreg:s10], $0x8FFFF;
	_ =	strace $0x90000046  }
0xb8: {  	s29 =	simm.s32 $0x9;
	_ =	strace $0x80000048  }
0xb9: {  	_ =	swait.ge [sflag:s29], $0x1  }
0xba: {  	[sflag:s29] =	ssyncadd.s32 $0xFFFFFFFF  }
0xbb: {  	_ =	strace $0x90000048  }
0xbc: {  	_ =	sfence  }
0xbd: {  	s30 =	sld [smem:$0x0];
	_ =	sdelay $0x2  }
0xbe: {  	s31 =	sshll.u32 s1, $0xD;
	s1 =	sshrl.u32 s1, $0x2  }
0xbf: {  	s3 =	sand.u32 $0x4000, s31;
	s1 =	sadd.s32 s1, s30  }
0xc0: {  	s0 =	sor.u32 s3, s0;
	s1 =	sshll.u32 s1, $0x11  }
0xc1: {  	s0 =	sor.u32 s1, s0  }
0xc2: {  	s0 =	sadd.s32 $0x8F2B, s0  }
0xc3: {  	[sflag:s0] =	ssyncadd.remote.s32 $0x1  }
0xc4: {  	_ =	sfence.sel $0xFFFF  }
0xc5: {  	[dreg:$0x0] =	wrdreg $0xFFFFFFFF;
	(pc) =	sbr.abs _section_cstart, $3  }
0xc6: {  	[dreg:$0x1] =	wrdreg $0xFFFFFFFF  }
0xc7: {  	_ =	task.clear_ibuf [dreg:s10], $0x2FFFF;
	_ =	strace $0x9FFFFFFF  }
0xc8: {  	(tm) =	ssettm $0x7FFFFFFF  }
0xc9: {  	_ =	shalt  }
tec
execute0_lowered:
.L_overlay_start_1:
0x0: {  	(tag) =	ssettag $0x1  }
0x1: {  	s5 =	rddreg [dreg:$0x0]  }
0x2: {  	s1 =	rddreg [dreg:$0x1]  }
0x3: {  	s6 =	rddreg [dreg:$0x2]  }
0x4: {  	s7 =	rddreg [dreg:$0x3]  }
0x5: {  	s8 =	rddreg [dreg:$0x4]  }
0x6: {  	s0 =	rddreg [dreg:$0x5];
	s2 =	stileid.u32  }
0x7: {  	s4 =	srdreg.scid;
	s9 =	smul.u32 $0x134000, s2  }
0x8: {  	s3 =	simm.s32 $0x0;
	s4 =	sand.u32 $0x1, s4;
	s10 =	smul.u32 $0x9A0000, s2  }
0x9: {  	[smem:$0x7FF] =	sst s3;
	s11 =	smul.u32 $0x4D0000, s4  }
0xa: {  	_ =	strace $0x80000047;
	s12 =	ssub.s32 $0x2, s4;
	s13 =	smul.u32 $0x9A000, s4  }
0xb: {  	s4 =	sshll.u32 s4, $0x7;
	s16 =	sshrl.u32 s12, $0x1;
	s14 =	sadd.s32 s9, s8  }
0xc: {  	s10 =	sadd.s32 s11, s10;
	s9 =	ssub.s32 s12, s16;
	s17 =	sadd.s32 s13, s14  }
0xd: {  	s18 =	sadd.s32 $0x90600, s10;
	[dreg:$0x6] =	wrdreg s17;
	s20 =	sadd.s32 $0x86C00, s10  }
0xe: {  	s21 =	sadd.s32 $0x7D200, s10;
	s25 =	sadd.s32 $0x73800, s10;
	s28 =	sadd.s32 $0x69E00, s10  }
0xf: {  	s29 =	sadd.s32 $0x60400, s10;
	s13 =	sadd.s32 $0x56A00, s10;
	s15 =	sadd.s32 $0x4D000, s10  }
0x10: {  	s16 =	sadd.s32 $0x43600, s10;
	s19 =	sshrl.u32 s18, $0x3;
	s12 =	sshrl.u32 s20, $0x3  }
0x11: {  	s23 =	sshrl.u32 s21, $0x3;
	s26 =	sshrl.u32 s25, $0x3;
	s31 =	sshrl.u32 s29, $0x3  }
0x12: {  	s14 =	sshrl.u32 s13, $0x3;
	s18 =	sshrl.u32 s16, $0x3;
	s20 =	sadd.s32 $0x39C00, s10  }
0x13: {  	s25 =	sadd.s32 $0x26800, s10;
	s11 =	sadd.s32 s19, s8;
	s22 =	sadd.s32 s12, s8  }
0x14: {  	s24 =	sadd.s32 s23, s8;
	s12 =	sshrl.u32 s28, $0x3;
	[dreg:$0x7] =	wrdreg s11  }
0x15: {  	s19 =	sadd.s32 s18, s8;
	s21 =	sshrl.u32 s20, $0x3;
	[dreg:$0x8] =	wrdreg s22  }
0x16: {  	s23 =	sshll.u32 s2, $0x8;
	s28 =	sadd.s32 $0x1CE00, s10;
	[dreg:$0x9] =	wrdreg s24  }
0x17: {  	s11 =	sadd.s32 s26, s8;
	s30 =	sadd.s32 s12, s8;
	[dreg:$0xf] =	wrdreg s19  }
0x18: {  	s12 =	sadd.s32 s31, s8;
	s22 =	sadd.s32 $0x30200, s10;
	[dreg:$0xa] =	wrdreg s11  }
0x19: {  	s26 =	sshrl.u32 s25, $0x3;
	s13 =	sor.u32 s4, s23;
	[dreg:$0xb] =	wrdreg s30  }
0x1a: {  	s4 =	sadd.s32 $0x800, s5;
	s5 =	sadd.s32 $0x8800, s5;
	[dreg:$0xc] =	wrdreg s12  }
0x1b: {  	s11 =	sadd.s32 s14, s8;
	s12 =	sshrl.u32 s15, $0x3;
	s30 =	sadd.s32 $0x13400, s10  }
0x1c: {  	s10 =	sor.u32 $0x9A00, s10;
	s31 =	sshrl.u32 s13, $0x3;
	[dreg:$0xd] =	wrdreg s11  }
0x1d: {  	s17 =	sadd.s32 s12, s8;
	s11 =	sadd.s32 s21, s8;
	s12 =	sshrl.u32 s22, $0x3  }
0x1e: {  	s10 =	sshrl.u32 s10, $0x3;
	s6 =	sadd.s32 s6, s31;
	[dreg:$0xe] =	wrdreg s17  }
0x1f: {  	vm0 =	vmmov $0x1;
	s7 =	sadd.s32 s7, s31;
	[dreg:$0x10] =	wrdreg s11;
	s24 =	sadd.s32 s12, s8  }
0x20: {  	vm1 =	vcmask $0x308;
	vm2 =	vcmask $0x70C;
	vm3 =	vcmask $0xB10;
	s11 =	sadd.s32 s26, s8;
	s12 =	sshrl.u32 s28, $0x3;
	[dreg:$0x11] =	wrdreg s24  }
0x21: {  	vm4 =	vcmask $0xF14;
	vm5 =	vcmask $0x1318;
	vm6 =	vcmask $0x171C;
	s10 =	sadd.s32 s10, s8;
	[dreg:$0x12] =	wrdreg s11;
	s29 =	sadd.s32 s12, s8  }
0x22: {  	vm7 =	vcmask $0x1B20;
	vm8 =	vcmask $0x1F24;
	vm9 =	vcmask $0x2328;
	s11 =	sshrl.u32 s30, $0x3;
	[dreg:$0x15] =	wrdreg s10;
	s10 =	simm.s32 $0x1  }
0x23: {  	vm10 =	vcmask $0x272C;
	vm11 =	vcmask $0x2B30;
	vm12 =	vcmask $0x2F34;
	[dreg:$0x13] =	wrdreg s29;
	s11 =	sadd.s32 s11, s8;
	s8 =	smax.u32 s9, $0x1  }
0x24: {  	vm13 =	vcmask $0x3338;
	vm14 =	vcmask $0x373C;
	vm15 =	vmmov $0x7fff;
	s9 =	simm.s32 $0x2;
	[dreg:$0x14] =	wrdreg s11;
	s11 =	simm.s32 $0x0  }
.LBB2_1:
0x25: {  	[tilespmem:s3], [sflag:$0x2] =	stream.linear.gather [hbm4b:s6+s3], $0x80, $0x38;
	[tilespmem:$0x100] =	vst v63  }
0x26: {  	_ =	swait.ge [sflag:s9], $0x80  }
0x27: {  	[sflag:s9] =	ssyncset.done $0x0  }
0x28: {  	s12 =	simm.s32 $0x80;
	[sflag:s9] =	ssyncadd.s32 $0xFFFFFF80  }
0x29: {  	[tilespmem:s12], [sflag:$0x2] =	stream.linear.gather [hbm4b:s7+s3], $0x80, $0x38;
	[tilespmem:$0x100] =	vst v63  }
0x2a: {  	_ =	swait.ge [sflag:s9], $0x80  }
0x2b: {  	[sflag:s9] =	ssyncset.done $0x0  }
0x2c: {  	[sflag:s9] =	ssyncadd.s32 $0xFFFFFF80  }
0x2d: {  	v7 =	vld [tilespmem:s12+$0x0]  }
0x2e: {  	v0 =	vld [tilespmem:s3+$0x0];
	_ =	sdelay $0x3  }
0x2f: {  	v1 =	vnsel vm0, $0x0, v7  }
0x30: {  	v2 =	vnsel vm0, $0x0, v0;
	(xrf0) =	vadd.scan.msk.s32 $0xffff, v1  }
0x31: {  	v1 =	vsel vm1, $0x0, v0;
	(xrf0) =	vadd.scan.msk.s32 $0xffff, v2  }
0x32: {  	v2 =	vsel vm1, $0x0, v7;
	(xrf0) =	vadd.scan.msk.s32 $0xffff, v1  }
0x33: {  	v1 =	vsel vm2, $0x0, v0;
	(xrf0) =	vadd.scan.msk.s32 $0xffff, v2  }
0x34: {  	v2 =	vsel vm2, $0x0, v7;
	(xrf0) =	vadd.scan.msk.s32 $0xffff, v1  }
0x35: {  	v1 =	vsel vm3, $0x0, v7;
	(xrf0) =	vadd.scan.msk.s32 $0xffff, v2  }
0x36: {  	v2 =	vsel vm3, $0x0, v0;
	v3, _, _ =	vpop (xrf0);
	(xrf0) =	vadd.scan.msk.s32 $0xffff, v1  }
0x37: {  	v1 =	vsel vm4, $0x0, v7;
	v4, _, _ =	vpop (xrf0);
	(xrf0) =	vadd.scan.msk.s32 $0xffff, v2  }
0x38: {  	v2 =	vsel vm4, $0x0, v0;
	(v2sf) =	vpush v3, $0xF;
	v3, _, _ =	vpop (xrf0);
	(xrf0) =	vadd.scan.msk.s32 $0xffff, v1  }
0x39: {  	v1 =	vsel vm5, $0x0, v7;
	(v2sf) =	vpush v4, $0xF;
	v57, _, _ =	vpop (xrf0);
	(xrf0) =	vadd.scan.msk.s32 $0xffff, v2  }
0x3a: {  	v2 =	vsel vm5, $0x0, v0;
	v5, _, _ =	vpop (xrf0);
	(xrf0) =	vadd.scan.msk.s32 $0xffff, v1  }
0x3b: {  	(v2sf) =	vpush v3, $0xF;
	v1 =	vsel vm6, $0x0, v7;
	v3, _, _ =	vpop (xrf0);
	(xrf0) =	vadd.scan.msk.s32 $0xffff, v2  }
0x3c: {  	(v2sf) =	vpush v57, $0xF;
	v2 =	vsel vm6, $0x0, v0;
	v58, _, _ =	vpop (xrf0);
	(xrf0) =	vadd.scan.msk.s32 $0xffff, v1  }
0x3d: {  	v1 =	vsel vm7, $0x0, v0;
	v6, _, _ =	vpop (xrf0);
	(xrf0) =	vadd.scan.msk.s32 $0xffff, v2  }
0x3e: {  	v2 =	vsel vm8, $0x0, v0;
	v8, _, _ =	vpop (xrf0);
	(xrf0) =	vadd.scan.msk.s32 $0xffff, v1  }
0x3f: {  	v1 =	vsel vm8, $0x0, v7;
	v9, _, _ =	vpop (xrf0);
	(xrf0) =	vadd.scan.msk.s32 $0xffff, v2  }
0x40: {  	v2 =	vsel vm9, $0x0, v0;
	v17, _, _ =	vpop (xrf0);
	(xrf0) =	vadd.scan.msk.s32 $0xffff, v1  }
0x41: {  	(v2sf) =	vpush v5, $0xF;
	v1 =	vsel vm9, $0x0, v7;
	v18, _, _ =	vpop (xrf0);
	(xrf0) =	vadd.scan.msk.s32 $0xffff, v2  }
0x42: {  	v2 =	vsel vm10, $0x0, v0;
	v19, _, _ =	vpop (xrf0);
	(xrf0) =	vadd.scan.msk.s32 $0xffff, v1  }
0x43: {  	(v2sf) =	vpush v3, $0xF;
	v1 =	vsel vm10, $0x0, v7;
	v20, _, _ =	vpop (xrf0);
	(xrf0) =	vadd.scan.msk.s32 $0xffff, v2  }
0x44: {  	v2 =	vsel vm11, $0x0, v0;
	v21, _, _ =	vpop (xrf0);
	(xrf0) =	vadd.scan.msk.s32 $0xffff, v1  }
0x45: {  	v1 =	vsel vm11, $0x0, v7;
	v16, _, _ =	vpop (xrf0);
	(xrf0) =	vadd.scan.msk.s32 $0xffff, v2  }
0x46: {  	s22 =	rddreg [dreg:$0x6];
	v2 =	vsel vm12, $0x0, v0;
	v14, _, _ =	vpop (xrf0);
	(xrf0) =	vadd.scan.msk.s32 $0xffff, v1  }
0x47: {  	s23 =	sshll.u32 s2, $0x6;
	s14 =	sadd.s32 $0x0, s22;
	(v2sf) =	vpush v58, $0xF;
	v1 =	vsel vm12, $0x0, v7;
	s13 =	spop (v2sf);
	v15, _, _ =	vpop (xrf0);
	(xrf0) =	vadd.scan.msk.s32 $0xffff, v2  }
0x48: {  	s12 =	sor.u32 $0x1C01, s23;
	(v2sf) =	vpush v6, $0xF;
	v2 =	vsel vm13, $0x0, v0;
	s15 =	spop (v2sf);
	s13 =	sshll.u32 s13, $0xA;
	v12, _, _ =	vpop (xrf0);
	(xrf0) =	vadd.scan.msk.s32 $0xffff, v1  }
0x49: {  	s24 =	sadd.s32 $0x40, s14;
	v1 =	vsel vm13, $0x0, v7;
	s16 =	sshll.u32 s15, $0x6;
	s13 =	sand.u32 $0x1FFFFC00, s13;
	v13, _, _ =	vpop (xrf0);
	(xrf0) =	vadd.scan.msk.s32 $0xffff, v2  }
0x4a: {  	s17 =	spop (v2sf);
	s15 =	smul.u32 $0x7800, s15;
	v2 =	vsel vm14, $0x0, v0;
	s16 =	sand.u32 $0x1FFFFFC0, s16;
	v10, _, _ =	vpop (xrf0);
	(xrf0) =	vadd.scan.msk.s32 $0xffff, v1  }
0x4b: {  	s18 =	spop (v2sf);
	s13 =	sadd.s32 s4, s13;
	s16 =	sadd.s32 s1, s16;
	v11, _, _ =	vpop (xrf0);
	(xrf0) =	vadd.scan.msk.s32 $0xffff, v2  }
0x4c: {  	v1 =	vsel vm14, $0x0, v7;
	[hbm:s14], [sflag:s12] =	dma.local [hbm:s16], $0x40  }
0x4d: {  	s25 =	smul.u32 $0x7800, s17;
	s17 =	sshll.u32 s17, $0x6;
	s15 =	sshrl.u32 s15, $0x3;
	(v2sf) =	vpush v8, $0xF;
	v59, _, _ =	vpop (xrf0);
	(xrf0) =	vadd.scan.msk.s32 $0xffff, v1  }
0x4e: {  	[hbm:s24], [sflag:s12] =	dma.local [hbm:s13], $0x400  }
0x4f: {  	v0 =	vsel vm15, $0x0, v0;
	s17 =	sand.u32 $0x1FFFFFC0, s17;
	s26 =	sshll.u32 s18, $0xA;
	s15 =	sadd.s32 s5, s15;
	(v2sf) =	vpush v9, $0xF;
	v60, _, _ =	vpop (xrf0)  }
0x50: {  	s28 =	sshrl.u32 s25, $0x3;
	s17 =	sadd.s32 s1, s17;
	v1 =	vsel vm15, $0x0, v7;
	(xrf0) =	vadd.scan.msk.s32 $0xffff, v0;
	s19 =	spop (v2sf);
	v61, _, _ =	vpop (xrf0)  }
0x51: {  	s14 =	sadd.s32 $0x440, s14;
	s13 =	simm.s32 $0x13400;
	(xrf0) =	vadd.scan.msk.s32 $0xffff, v1;
	s30 =	sshll.u32 s19, $0x6;
	v62, _, _ =	vpop (xrf0)  }
0x52: {  	s20 =	spop (v2sf);
	s19 =	smul.u32 $0x7800, s19;
	s18 =	sand.u32 $0x1FFFFFC0, s30;
	v3, _, _ =	vpop (xrf0)  }
0x53: {  	[hbm:s14], [sflag:s12] =	dma.local [hbm:s15], $0xF00  }
0x54: {  	s23 =	sshll.u32 s20, $0xA;
	s24 =	sshrl.u32 s19, $0x3;
	s18 =	sadd.s32 s1, s18;
	v63, _, _ =	vpop (xrf0)  }
0x55: {  	s14 =	sand.u32 $0x1FFFFC00, s26;
	s15 =	sadd.s32 s5, s28;
	s29 =	rddreg [dreg:$0x15];
	v1, _, _ =	vpop (xrf0)  }
0x56: {  	s21 =	spop (v2sf);
	s14 =	sadd.s32 s4, s14;
	(v2sf) =	vpush v17, $0xF;
	s16 =	sadd.s32 $0x0, s29;
	v2, _, _ =	vpop (xrf0)  }
0x57: {  	s22 =	spop (v2sf);
	(v2sf) =	vpush v18, $0xF;
	s25 =	sshll.u32 s21, $0xA;
	s31 =	sadd.s32 $0x40, s16;
	v0, _, _ =	vpop (xrf0)  }
0x58: {  	[hbm:s16], [sflag:s12] =	dma.local [hbm:s17], $0x40  }
0x59: {  	[hbm:s31], [sflag:s12] =	dma.local [hbm:s14], $0x400  }
0x5a: {  	s28 =	sshll.u32 s22, $0x6;
	s16 =	sadd.s32 $0x440, s16;
	s14 =	sand.u32 $0x1FFFFC00, s23  }
0x5b: {  	[hbm:s16], [sflag:s12] =	dma.local [hbm:s15], $0xF00  }
0x5c: {  	s29 =	smul.u32 $0x7800, s22;
	s14 =	sadd.s32 s4, s14;
	s16 =	rddreg [dreg:$0x14]  }
0x5d: {  	s15 =	sadd.s32 s5, s24;
	s26 =	spop (v2sf);
	s16 =	sadd.s32 $0x0, s16  }
0x5e: {  	s24 =	sand.u32 $0x1FFFFFC0, s28;
	(v2sf) =	vpush v20, $0xF;
	s31 =	sadd.s32 $0x40, s16;
	s30 =	spop (v2sf)  }
0x5f: {  	[hbm:s16], [sflag:s12] =	dma.local [hbm:s18], $0x40  }
0x60: {  	s26 =	sshll.u32 s26, $0xA;
	s16 =	sadd.s32 $0x440, s16;
	s18 =	sand.u32 $0x1FFFFC00, s25  }
0x61: {  	s25 =	sshrl.u32 s29, $0x3;
	s29 =	sshll.u32 s30, $0x6;
	s30 =	smul.u32 $0x7800, s30  }
0x62: {  	[hbm:s31], [sflag:s12] =	dma.local [hbm:s14], $0x400  }
0x63: {  	[hbm:s16], [sflag:s12] =	dma.local [hbm:s15], $0xF00  }
0x64: {  	s17 =	sadd.s32 s5, s25;
	s14 =	sadd.s32 s4, s18;
	s15 =	sadd.s32 s1, s24  }
0x65: {  	s24 =	sand.u32 $0x1FFFFC00, s26;
	s16 =	rddreg [dreg:$0x13];
	s28 =	spop (v2sf)  }
0x66: {  	v7 =	vsel vm7, $0x0, v7;
	s26 =	sand.u32 $0x1FFFFFC0, s29;
	(v2sf) =	vpush v19, $0xF;
	s16 =	sadd.s32 $0x0, s16;
	s31 =	spop (v2sf)  }
0x67: {  	(xrf0) =	vadd.scan.msk.s32 $0xffff, v7;
	(v2sf) =	vpush v21, $0xF;
	s23 =	sadd.s32 $0x40, s16;
	s25 =	sshll.u32 s28, $0xA;
	s28 =	sshrl.u32 s30, $0x3  }
0x68: {  	[hbm:s16], [sflag:s12] =	dma.local [hbm:s15], $0x40  }
0x69: {  	s16 =	sadd.s32 $0x440, s16;
	s15 =	sand.u32 $0x1FFFFC00, s25;
	s29 =	sshll.u32 s31, $0x6  }
0x6a: {  	[hbm:s23], [sflag:s12] =	dma.local [hbm:s14], $0x400  }
0x6b: {  	s30 =	smul.u32 $0x7800, s31;
	s18 =	sadd.s32 s5, s28;
	s14 =	sadd.s32 s4, s24  }
0x6c: {  	[hbm:s16], [sflag:s12] =	dma.local [hbm:s17], $0xF00  }
0x6d: {  	s23 =	sand.u32 $0x1FFFFFC0, s29;
	s15 =	sadd.s32 s4, s15;
	s16 =	rddreg [dreg:$0x12];
	v7, _, _ =	vpop (xrf0)  }
0x6e: {  	s28 =	sshrl.u32 s30, $0x3;
	s16 =	sadd.s32 $0x0, s16;
	s31 =	spop (v2sf);
	(v2sf) =	vpush v7, $0xF  }
0x6f: {  	s17 =	sadd.s32 s1, s26;
	s19 =	sadd.s32 s5, s28;
	s22 =	sadd.s32 $0x40, s16;
	(v2sf) =	vpush v16, $0xF  }
0x70: {  	[hbm:s16], [sflag:s12] =	dma.local [hbm:s17], $0x40  }
0x71: {  	s24 =	sshll.u32 s31, $0x6;
	s26 =	smul.u32 $0x7800, s31;
	s16 =	sadd.s32 $0x440, s16  }
0x72: {  	[hbm:s22], [sflag:s12] =	dma.local [hbm:s14], $0x400  }
0x73: {  	[hbm:s16], [sflag:s12] =	dma.local [hbm:s18], $0xF00  }
0x74: {  	s14 =	sadd.s32 s1, s23;
	s16 =	sand.u32 $0x1FFFFFC0, s24;
	s18 =	sshrl.u32 s26, $0x3  }
0x75: {  	s25 =	rddreg [dreg:$0x11];
	s16 =	sadd.s32 s1, s16;
	s29 =	spop (v2sf);
	(v2sf) =	vpush v14, $0xF  }
0x76: {  	s17 =	sadd.s32 $0x0, s25;
	s20 =	sshll.u32 s29, $0xA;
	s30 =	spop (v2sf);
	(v2sf) =	vpush v15, $0xF  }
0x77: {  	[hbm:s17], [sflag:s12] =	dma.local [hbm:s14], $0x40  }
0x78: {  	s31 =	sadd.s32 $0x40, s17;
	s24 =	sand.u32 $0x1FFFFC00, s20;
	s17 =	sadd.s32 $0x440, s17  }
0x79: {  	s23 =	sshll.u32 s30, $0x6;
	s25 =	smul.u32 $0x7800, s30;
	s14 =	sadd.s32 s5, s18  }
0x7a: {  	[hbm:s31], [sflag:s12] =	dma.local [hbm:s15], $0x400  }
0x7b: {  	[hbm:s17], [sflag:s12] =	dma.local [hbm:s19], $0xF00  }
0x7c: {  	s18 =	sadd.s32 s4, s24;
	s17 =	sand.u32 $0x1FFFFFC0, s23;
	s31 =	sshrl.u32 s25, $0x3  }
0x7d: {  	s22 =	rddreg [dreg:$0x10];
	s17 =	sadd.s32 s1, s17;
	s19 =	spop (v2sf);
	(v2sf) =	vpush v12, $0xF  }
0x7e: {  	s15 =	sadd.s32 $0x0, s22;
	s19 =	sshll.u32 s19, $0xA;
	s26 =	spop (v2sf);
	(v2sf) =	vpush v13, $0xF  }
0x7f: {  	[hbm:s15], [sflag:s12] =	dma.local [hbm:s16], $0x40  }
0x80: {  	s28 =	sadd.s32 $0x40, s15;
	s29 =	sand.u32 $0x1FFFFC00, s19;
	s20 =	sshll.u32 s26, $0x6  }
0x81: {  	[hbm:s28], [sflag:s12] =	dma.local [hbm:s18], $0x400  }
0x82: {  	s15 =	sadd.s32 $0x440, s15;
	s21 =	smul.u32 $0x7800, s26;
	s19 =	sand.u32 $0x1FFFFFC0, s20  }
0x83: {  	[hbm:s15], [sflag:s12] =	dma.local [hbm:s14], $0xF00  }
0x84: {  	s18 =	sadd.s32 s5, s31;
	s14 =	simm.s32 $0x90;
	s15 =	sadd.s32 s4, s29  }
0x85: {  	s28 =	sshrl.u32 s21, $0x3;
	s30 =	rddreg [dreg:$0xf];
	s22 =	spop (v2sf);
	(v2sf) =	vpush v10, $0xF  }
0x86: {  	s19 =	sadd.s32 s1, s19;
	s16 =	sadd.s32 $0x0, s30;
	s23 =	spop (v2sf);
	(v2sf) =	vpush v11, $0xF  }
0x87: {  	[hbm:s16], [sflag:s12] =	dma.local [hbm:s17], $0x40  }
0x88: {  	s24 =	sadd.s32 $0x40, s16;
	s25 =	sshll.u32 s22, $0xA;
	s16 =	sadd.s32 $0x440, s16  }
0x89: {  	[hbm:s24], [sflag:s12] =	dma.local [hbm:s15], $0x400  }
0x8a: {  	s30 =	sshll.u32 s23, $0x6;
	s22 =	smul.u32 $0x7800, s23;
	s15 =	simm.s32 $0x10  }
0x8b: {  	[hbm:s16], [sflag:s12] =	dma.local [hbm:s18], $0xF00  }
0x8c: {  	s21 =	sand.u32 $0x1FFFFFC0, s30;
	s16 =	sand.u32 $0x1FFFFC00, s25;
	s18 =	sadd.s32 s5, s28  }
0x8d: {  	s25 =	sshrl.u32 s22, $0x3;
	s26 =	rddreg [dreg:$0xe];
	s29 =	spop (v2sf);
	(v2sf) =	vpush v59, $0xF  }
0x8e: {  	s16 =	sadd.s32 s4, s16;
	s17 =	sadd.s32 $0x0, s26;
	s23 =	spop (v2sf);
	(v2sf) =	vpush v60, $0xF  }
0x8f: {  	[hbm:s17], [sflag:s12] =	dma.local [hbm:s19], $0x40  }
0x90: {  	s31 =	sadd.s32 $0x40, s17;
	s24 =	sshll.u32 s29, $0xA;
	s17 =	sadd.s32 $0x440, s17  }
0x91: {  	s28 =	sshll.u32 s23, $0x6;
	s29 =	smul.u32 $0x7800, s23;
	s19 =	sadd.s32 s5, s25  }
0x92: {  	[hbm:s31], [sflag:s12] =	dma.local [hbm:s16], $0x400  }
0x93: {  	[hbm:s17], [sflag:s12] =	dma.local [hbm:s18], $0xF00  }
0x94: {  	s16 =	sadd.s32 s1, s21;
	s17 =	sand.u32 $0x1FFFFC00, s24;
	s18 =	rddreg [dreg:$0xd]  }
0x95: {  	s24 =	sand.u32 $0x1FFFFFC0, s28;
	s26 =	spop (v2sf);
	(v2sf) =	vpush v61, $0xF;
	s18 =	sadd.s32 $0x0, s18  }
0x96: {  	s17 =	sadd.s32 s4, s17;
	s31 =	sadd.s32 $0x40, s18;
	s30 =	spop (v2sf);
	(v2sf) =	vpush v62, $0xF  }
0x97: {  	[hbm:s18], [sflag:s12] =	dma.local [hbm:s16], $0x40  }
0x98: {  	s25 =	sshll.u32 s26, $0xA;
	s26 =	sshrl.u32 s29, $0x3;
	s18 =	sadd.s32 $0x440, s18  }
0x99: {  	s29 =	sshll.u32 s30, $0x6;
	s30 =	smul.u32 $0x7800, s30;
	s16 =	sadd.s32 s1, s24  }
0x9a: {  	[hbm:s31], [sflag:s12] =	dma.local [hbm:s17], $0x400  }
0x9b: {  	[hbm:s18], [sflag:s12] =	dma.local [hbm:s19], $0xF00  }
0x9c: {  	s17 =	sand.u32 $0x1FFFFC00, s25;
	s24 =	sand.u32 $0x1FFFFFC0, s29;
	s18 =	rddreg [dreg:$0xc]  }
0x9d: {  	s17 =	sadd.s32 s4, s17;
	(v2sf) =	vpush v3, $0xF;
	s18 =	sadd.s32 $0x0, s18;
	s28 =	spop (v2sf)  }
0x9e: {  	s19 =	sadd.s32 s5, s26;
	s31 =	sadd.s32 $0x40, s18;
	(v2sf) =	vpush v63, $0xF;
	s23 =	spop (v2sf)  }
0x9f: {  	[hbm:s18], [sflag:s12] =	dma.local [hbm:s16], $0x40  }
0xa0: {  	s25 =	sshll.u32 s28, $0xA;
	s28 =	sshrl.u32 s30, $0x3;
	s18 =	sadd.s32 $0x440, s18  }
0xa1: {  	s26 =	sand.u32 $0x1FFFFC00, s25;
	s30 =	sshll.u32 s23, $0x6;
	s23 =	smul.u32 $0x7800, s23  }
0xa2: {  	[hbm:s31], [sflag:s12] =	dma.local [hbm:s17], $0x400  }
0xa3: {  	[hbm:s18], [sflag:s12] =	dma.local [hbm:s19], $0xF00  }
0xa4: {  	s20 =	sadd.s32 s5, s28;
	s16 =	sadd.s32 s1, s24;
	s18 =	rddreg [dreg:$0xb]  }
0xa5: {  	s19 =	sadd.s32 s4, s26;
	s29 =	spop (v2sf);
	(v2sf) =	vpush v1, $0xF;
	s18 =	sadd.s32 $0x0, s18  }
0xa6: {  	(v2sf) =	vpush v2, $0xF;
	s24 =	sadd.s32 $0x40, s18;
	s25 =	sadd.s32 $0x440, s18;
	s17 =	spop (v2sf)  }
0xa7: {  	[hbm:s18], [sflag:s12] =	dma.local [hbm:s16], $0x40  }
0xa8: {  	s31 =	sshll.u32 s29, $0xA;
	s18 =	sand.u32 $0x1FFFFFC0, s30;
	s16 =	simm.s32 $0x0  }
0xa9: {  	[hbm:s24], [sflag:s12] =	dma.local [hbm:s19], $0x400  }
0xaa: {  	[hbm:s25], [sflag:s12] =	dma.local [hbm:s20], $0xF00  }
0xab: {  	s19 =	sshrl.u32 s23, $0x3;
	s20 =	sand.u32 $0x1FFFFC00, s31;
	s21 =	rddreg [dreg:$0xa]  }
.LBB2_2:
0xac: {  	s22 =	sshll.u32 s17, $0x6;
	s30 =	smul.u32 $0x7800, s17  }
0xad: {  	s21 =	sadd.s32 s16, s21;
	s18 =	sadd.s32 s1, s18;
	s20 =	sadd.s32 s4, s20  }
0xae: {  	s19 =	sadd.s32 s5, s19;
	s22 =	sand.u32 $0x1FFFFFC0, s22;
	s23 =	spop (v2sf)  }
0xaf: {  	s31 =	sadd.s32 $0x40, s21;
	s17 =	sshrl.u32 s30, $0x3;
	s24 =	spop (v2sf);
	(v2sf) =	vpush v0, $0xF  }
0xb0: {  	[hbm:s21], [sflag:s12] =	dma.local [hbm:s18], $0x40  }
0xb1: {  	s22 =	sadd.s32 s1, s22;
	s23 =	sshll.u32 s23, $0xA;
	s21 =	sadd.s32 $0x440, s21  }
0xb2: {  	s26 =	sand.u32 $0x1FFFFC00, s23;
	s28 =	sshll.u32 s24, $0x6;
	s29 =	smul.u32 $0x7800, s24  }
0xb3: {  	[hbm:s31], [sflag:s12] =	dma.local [hbm:s20], $0x400  }
0xb4: {  	[hbm:s21], [sflag:s12] =	dma.local [hbm:s19], $0xF00  }
0xb5: {  	s17 =	sadd.s32 s5, s17;
	s20 =	sand.u32 $0x1FFFFFC0, s28;
	s19 =	sadd.s32 s4, s26  }
0xb6: {  	s28 =	sshrl.u32 s29, $0x3;
	s25 =	rddreg [dreg:$0x9];
	s30 =	spop (v2sf)  }
0xb7: {  	s20 =	sadd.s32 s1, s20;
	s18 =	sadd.s32 s16, s25;
	s31 =	spop (v2sf)  }
0xb8: {  	[hbm:s18], [sflag:s12] =	dma.local [hbm:s22], $0x40  }
0xb9: {  	s23 =	sshll.u32 s30, $0xA;
	s25 =	sadd.s32 $0x40, s18;
	s18 =	sadd.s32 $0x440, s18  }
0xba: {  	s26 =	sand.u32 $0x1FFFFC00, s23;
	s29 =	sshll.u32 s31, $0x6;
	s30 =	smul.u32 $0x7800, s31  }
0xbb: {  	[hbm:s25], [sflag:s12] =	dma.local [hbm:s19], $0x400  }
0xbc: {  	[hbm:s18], [sflag:s12] =	dma.local [hbm:s17], $0xF00  }
0xbd: {  	s21 =	sand.u32 $0x1FFFFFC0, s29;
	s19 =	sadd.s32 s5, s28;
	s17 =	rddreg [dreg:$0x8]  }
0xbe: {  	s18 =	sadd.s32 s4, s26;
	s17 =	sadd.s32 s16, s17;
	s31 =	spop (v2sf)  }
0xbf: {  	[hbm:s17], [sflag:s12] =	dma.local [hbm:s20], $0x40  }
0xc0: {  	s24 =	sadd.s32 $0x40, s17;
	s23 =	sshll.u32 s31, $0xA;
	s17 =	sadd.s32 $0x440, s17  }
0xc1: {  	[hbm:s24], [sflag:s12] =	dma.local [hbm:s18], $0x400  }
0xc2: {  	[hbm:s17], [sflag:s12] =	dma.local [hbm:s19], $0xF00  }
0xc3: {  	s26 =	sshrl.u32 s30, $0x3;
	s25 =	sand.u32 $0x1FFFFC00, s23;
	s17 =	rddreg [dreg:$0x7]  }
0xc4: {  	s30 =	sadd.s32 s1, s21;
	s18 =	sadd.s32 s4, s25;
	s29 =	sadd.s32 s16, s17  }
0xc5: {  	[hbm:s29], [sflag:s12] =	dma.local [hbm:s30], $0x40  }
0xc6: {  	s19 =	sadd.s32 s5, s26;
	s31 =	sadd.s32 $0x40, s29;
	s16 =	sadd.s32 $0x440, s29  }
0xc7: {  	[hbm:s31], [sflag:s12] =	dma.local [hbm:s18], $0x400  }
0xc8: {  	[hbm:s16], [sflag:s12] =	dma.local [hbm:s19], $0xF00  }
0xc9: {  	v0 =	vld [tilespmem:s14+$0x0]  }
0xca: {  	v1 =	vld [tilespmem:s15+$0x0];
	_ =	sdelay $0x3  }
0xcb: {  	v2 =	vnsel vm0, $0x0, v0  }
0xcc: {  	v5 =	vnsel vm0, $0x0, v1;
	(xrf0) =	vadd.scan.msk.s32 $0xffff, v2  }
0xcd: {  	v6 =	vsel vm1, $0x0, v1;
	(xrf0) =	vadd.scan.msk.s32 $0xffff, v5  }
0xce: {  	v38 =	vsel vm1, $0x0, v0;
	(xrf0) =	vadd.scan.msk.s32 $0xffff, v6  }
0xcf: {  	v2 =	vsel vm2, $0x0, v1;
	(xrf0) =	vadd.scan.msk.s32 $0xffff, v38  }
0xd0: {  	v3 =	vsel vm2, $0x0, v0;
	(xrf0) =	vadd.scan.msk.s32 $0xffff, v2  }
0xd1: {  	v2 =	vsel vm3, $0x0, v0;
	(xrf0) =	vadd.scan.msk.s32 $0xffff, v3  }
0xd2: {  	v8 =	vsel vm3, $0x0, v1;
	v18, _, _ =	vpop (xrf0);
	(xrf0) =	vadd.scan.msk.s32 $0xffff, v2  }
0xd3: {  	v7 =	vsel vm4, $0x0, v0;
	v22, _, _ =	vpop (xrf0);
	(xrf0) =	vadd.scan.msk.s32 $0xffff, v8  }
0xd4: {  	v10 =	vsel vm4, $0x0, v1;
	(v2sf) =	vpush v18, $0xF;
	v42, _, _ =	vpop (xrf0);
	(xrf0) =	vadd.scan.msk.s32 $0xffff, v7  }
0xd5: {  	v9 =	vsel vm5, $0x0, v0;
	(v2sf) =	vpush v22, $0xF;
	v24, _, _ =	vpop (xrf0);
	(xrf0) =	vadd.scan.msk.s32 $0xffff, v10  }
0xd6: {  	v39 =	vsel vm5, $0x0, v1;
	v45, _, _ =	vpop (xrf0);
	(xrf0) =	vadd.scan.msk.s32 $0xffff, v9  }
0xd7: {  	v12 =	vsel vm6, $0x0, v0;
	(v2sf) =	vpush v42, $0xF;
	v46, _, _ =	vpop (xrf0);
	(xrf0) =	vadd.scan.msk.s32 $0xffff, v39  }
0xd8: {  	v13 =	vsel vm6, $0x0, v1;
	(v2sf) =	vpush v24, $0xF;
	v47, _, _ =	vpop (xrf0);
	(xrf0) =	vadd.scan.msk.s32 $0xffff, v12  }
0xd9: {  	v40 =	vsel vm7, $0x0, v1;
	v48, _, _ =	vpop (xrf0);
	(xrf0) =	vadd.scan.msk.s32 $0xffff, v13  }
0xda: {  	v14 =	vsel vm8, $0x0, v1;
	v49, _, _ =	vpop (xrf0);
	(xrf0) =	vadd.scan.msk.s32 $0xffff, v40  }
0xdb: {  	v4 =	vsel vm8, $0x0, v0;
	v50, _, _ =	vpop (xrf0);
	(xrf0) =	vadd.scan.msk.s32 $0xffff, v14  }
0xdc: {  	v15 =	vsel vm9, $0x0, v1;
	v25, _, _ =	vpop (xrf0);
	(xrf0) =	vadd.scan.msk.s32 $0xffff, v4  }
0xdd: {  	v16 =	vsel vm9, $0x0, v0;
	v26, _, _ =	vpop (xrf0);
	(xrf0) =	vadd.scan.msk.s32 $0xffff, v15  }
0xde: {  	v17 =	vsel vm10, $0x0, v1;
	(v2sf) =	vpush v45, $0xF;
	v51, _, _ =	vpop (xrf0);
	(xrf0) =	vadd.scan.msk.s32 $0xffff, v16  }
0xdf: {  	v3 =	vsel vm10, $0x0, v0;
	(v2sf) =	vpush v46, $0xF;
	v27, _, _ =	vpop (xrf0);
	(xrf0) =	vadd.scan.msk.s32 $0xffff, v17  }
0xe0: {  	v19 =	vsel vm11, $0x0, v1;
	v52, _, _ =	vpop (xrf0);
	(xrf0) =	vadd.scan.msk.s32 $0xffff, v3  }
0xe1: {  	p0 =	sne.s32 s13, $0x86C00;
	s28 =	smov.u32 s13;
	v20 =	vsel vm11, $0x0, v0;
	v53, _, _ =	vpop (xrf0);
	(xrf0) =	vadd.scan.msk.s32 $0xffff, v19  }
0xe2: {  	s13 =	sadd.s32 $0x13400, s13;
	s16 =	smov.u32 s28;
	s18 =	rddreg [dreg:$0x6];
	v2 =	vsel vm12, $0x0, v1;
	(v2sf) =	vpush v47, $0xF;
	v54, _, _ =	vpop (xrf0);
	(xrf0) =	vadd.scan.msk.s32 $0xffff, v20  }
0xe3: {  	s14 =	sadd.s32 $0x10, s14;
	s15 =	sadd.s32 $0x10, s15;
	v21 =	vsel vm12, $0x0, v0;
	(v2sf) =	vpush v48, $0xF;
	s26 =	spop (v2sf);
	v15, _, _ =	vpop (xrf0);
	(xrf0) =	vadd.scan.msk.s32 $0xffff, v2  }
0xe4: {  	s19 =	sadd.s32 s16, s18;
	v41 =	vsel vm13, $0x0, v1;
	s20 =	sshll.u32 s26, $0xA;
	s28 =	spop (v2sf);
	v55, _, _ =	vpop (xrf0);
	(xrf0) =	vadd.scan.msk.s32 $0xffff, v21  }
0xe5: {  	s24 =	sadd.s32 $0x40, s19;
	v23 =	vsel vm13, $0x0, v0;
	s29 =	sshll.u32 s28, $0x6;
	s20 =	sand.u32 $0x1FFFFC00, s20;
	v56, _, _ =	vpop (xrf0);
	(xrf0) =	vadd.scan.msk.s32 $0xffff, v41  }
0xe6: {  	v43 =	vsel vm14, $0x0, v1;
	s21 =	smul.u32 $0x7800, s28;
	s30 =	spop (v2sf);
	s22 =	sand.u32 $0x1FFFFFC0, s29;
	v57, _, _ =	vpop (xrf0);
	(xrf0) =	vadd.scan.msk.s32 $0xffff, v23  }
0xe7: {  	s20 =	sadd.s32 s4, s20;
	s25 =	spop (v2sf);
	s22 =	sadd.s32 s1, s22;
	v58, _, _ =	vpop (xrf0);
	(xrf0) =	vadd.scan.msk.s32 $0xffff, v43  }
0xe8: {  	v44 =	vsel vm14, $0x0, v0;
	[hbm:s19], [sflag:s12] =	dma.local [hbm:s22], $0x40  }
0xe9: {  	s31 =	smul.u32 $0x7800, s30;
	s23 =	sshll.u32 s30, $0x6;
	s21 =	sshrl.u32 s21, $0x3;
	(v2sf) =	vpush v49, $0xF;
	v59, _, _ =	vpop (xrf0);
	(xrf0) =	vadd.scan.msk.s32 $0xffff, v44  }
0xea: {  	[hbm:s24], [sflag:s12] =	dma.local [hbm:s20], $0x400  }
0xeb: {  	s17 =	sadd.s32 $0x440, s19;
	s18 =	sand.u32 $0x1FFFFFC0, s23;
	s21 =	sadd.s32 s5, s21;
	(v2sf) =	vpush v50, $0xF  }
0xec: {  	v1 =	vsel vm15, $0x0, v1;
	s18 =	sadd.s32 s1, s18;
	s22 =	sshll.u32 s25, $0xA;
	s25 =	sshrl.u32 s31, $0x3;
	v60, _, _ =	vpop (xrf0)  }
0xed: {  	v11 =	vsel vm7, $0x0, v0;
	v0 =	vsel vm15, $0x0, v0;
	s19 =	sand.u32 $0x1FFFFC00, s22;
	s22 =	sadd.s32 s5, s25;
	(xrf0) =	vadd.scan.msk.s32 $0xffff, v1;
	s20 =	spop (v2sf);
	v61, _, _ =	vpop (xrf0)  }
0xee: {  	s19 =	sadd.s32 s4, s19;
	(xrf0) =	vadd.scan.msk.s32 $0xffff, v0;
	s26 =	sshll.u32 s20, $0x6;
	s28 =	spop (v2sf);
	v62, _, _ =	vpop (xrf0)  }
0xef: {  	s20 =	smul.u32 $0x7800, s20;
	s23 =	sand.u32 $0x1FFFFFC0, s26;
	s29 =	sshll.u32 s28, $0xA;
	v63, _, _ =	vpop (xrf0)  }
0xf0: {  	[hbm:s17], [sflag:s12] =	dma.local [hbm:s21], $0xF00  }
0xf1: {  	s20 =	sshrl.u32 s20, $0x3;
	s23 =	sadd.s32 s1, s23;
	v3, _, _ =	vpop (xrf0);
	s30 =	spop (v2sf)  }
0xf2: {  	s21 =	sand.u32 $0x1FFFFC00, s29;
	s17 =	rddreg [dreg:$0x15];
	v1, _, _ =	vpop (xrf0);
	s31 =	spop (v2sf);
	(v2sf) =	vpush v25, $0xF  }
0xf3: {  	s20 =	sadd.s32 s5, s20;
	s24 =	sshll.u32 s30, $0xA;
	s17 =	sadd.s32 s16, s17;
	v2, _, _ =	vpop (xrf0);
	(v2sf) =	vpush v26, $0xF  }
0xf4: {  	s21 =	sadd.s32 s4, s21;
	s24 =	sand.u32 $0x1FFFFC00, s24;
	s26 =	sadd.s32 $0x40, s17;
	v0, _, _ =	vpop (xrf0)  }
0xf5: {  	[hbm:s17], [sflag:s12] =	dma.local [hbm:s18], $0x40  }
0xf6: {  	s28 =	sshll.u32 s31, $0x6;
	s29 =	smul.u32 $0x7800, s31;
	s17 =	sadd.s32 $0x440, s17  }
0xf7: {  	[hbm:s26], [sflag:s12] =	dma.local [hbm:s19], $0x400  }
0xf8: {  	[hbm:s17], [sflag:s12] =	dma.local [hbm:s22], $0xF00  }
0xf9: {  	s24 =	sadd.s32 s4, s24;
	s18 =	sand.u32 $0x1FFFFFC0, s28;
	s22 =	spop (v2sf)  }
0xfa: {  	s19 =	sshrl.u32 s29, $0x3;
	s17 =	rddreg [dreg:$0x14];
	s30 =	spop (v2sf);
	(v2sf) =	vpush v27, $0xF  }
0xfb: {  	s18 =	sadd.s32 s1, s18;
	s19 =	sadd.s32 s5, s19;
	s17 =	sadd.s32 s16, s17  }
0xfc: {  	[hbm:s17], [sflag:s12] =	dma.local [hbm:s23], $0x40  }
0xfd: {  	s22 =	sshll.u32 s22, $0xA;
	s31 =	sadd.s32 $0x40, s17;
	s17 =	sadd.s32 $0x440, s17  }
0xfe: {  	[hbm:s31], [sflag:s12] =	dma.local [hbm:s21], $0x400  }
0xff: {  	s23 =	sshll.u32 s30, $0x6;
	s26 =	smul.u32 $0x7800, s30;
	s21 =	sand.u32 $0x1FFFFC00, s22  }
0x100: {  	[hbm:s17], [sflag:s12] =	dma.local [hbm:s20], $0xF00  }
0x101: {  	s20 =	sand.u32 $0x1FFFFFC0, s23;
	s17 =	rddreg [dreg:$0x13];
	s28 =	spop (v2sf);
	(v2sf) =	vpush v51, $0xF  }
0x102: {  	s31 =	sshrl.u32 s26, $0x3;
	(xrf0) =	vadd.scan.msk.s32 $0xffff, v11;
	s17 =	sadd.s32 s16, s17;
	s29 =	spop (v2sf);
	(v2sf) =	vpush v52, $0xF  }
0x103: {  	s21 =	sadd.s32 s4, s21;
	s20 =	sadd.s32 s1, s20;
	s30 =	sadd.s32 $0x40, s17  }
0x104: {  	[hbm:s17], [sflag:s12] =	dma.local [hbm:s18], $0x40  }
0x105: {  	s23 =	sshll.u32 s28, $0xA;
	s17 =	sadd.s32 $0x440, s17;
	s26 =	smul.u32 $0x7800, s29  }
0x106: {  	[hbm:s30], [sflag:s12] =	dma.local [hbm:s24], $0x400  }
0x107: {  	[hbm:s17], [sflag:s12] =	dma.local [hbm:s19], $0xF00  }
0x108: {  	s18 =	sadd.s32 s5, s31;
	s24 =	sshll.u32 s29, $0x6;
	s19 =	sand.u32 $0x1FFFFC00, s23;
	v11, _, _ =	vpop (xrf0)  }
0x109: {  	s22 =	sand.u32 $0x1FFFFFC0, s24;
	s17 =	rddreg [dreg:$0x12];
	s28 =	spop (v2sf);
	(v2sf) =	vpush v11, $0xF  }
0x10a: {  	s31 =	sshrl.u32 s26, $0x3;
	s22 =	sadd.s32 s1, s22;
	s17 =	sadd.s32 s16, s17;
	(v2sf) =	vpush v53, $0xF  }
0x10b: {  	s19 =	sadd.s32 s4, s19;
	s30 =	sadd.s32 $0x40, s17;
	s29 =	sshll.u32 s28, $0x6  }
0x10c: {  	[hbm:s17], [sflag:s12] =	dma.local [hbm:s20], $0x40  }
0x10d: {  	[hbm:s30], [sflag:s12] =	dma.local [hbm:s21], $0x400  }
0x10e: {  	s24 =	smul.u32 $0x7800, s28;
	s17 =	sadd.s32 $0x440, s17;
	s21 =	sand.u32 $0x1FFFFFC0, s29  }
0x10f: {  	[hbm:s17], [sflag:s12] =	dma.local [hbm:s18], $0xF00  }
0x110: {  	s18 =	sadd.s32 s5, s31;
	s17 =	rddreg [dreg:$0x11];
	s23 =	spop (v2sf)  }
0x111: {  	s21 =	sadd.s32 s1, s21;
	s17 =	sadd.s32 s16, s17;
	s25 =	spop (v2sf);
	(v2sf) =	vpush v54, $0xF  }
0x112: {  	s20 =	sshll.u32 s23, $0xA;
	s23 =	sshrl.u32 s24, $0x3;
	s26 =	sadd.s32 $0x40, s17;
	(v2sf) =	vpush v15, $0xF  }
0x113: {  	s20 =	sand.u32 $0x1FFFFC00, s20;
	s28 =	sshll.u32 s25, $0x6;
	s30 =	smul.u32 $0x7800, s25  }
0x114: {  	[hbm:s17], [sflag:s12] =	dma.local [hbm:s22], $0x40  }
0x115: {  	s23 =	sadd.s32 s5, s23;
	s17 =	sadd.s32 $0x440, s17;
	s20 =	sadd.s32 s4, s20  }
0x116: {  	[hbm:s26], [sflag:s12] =	dma.local [hbm:s19], $0x400  }
0x117: {  	[hbm:s17], [sflag:s12] =	dma.local [hbm:s18], $0xF00  }
0x118: {  	s26 =	sshrl.u32 s30, $0x3;
	s17 =	rddreg [dreg:$0x10];
	s29 =	spop (v2sf)  }
0x119: {  	s18 =	sand.u32 $0x1FFFFFC0, s28;
	s17 =	sadd.s32 s16, s17;
	s31 =	spop (v2sf);
	(v2sf) =	vpush v55, $0xF  }
0x11a: {  	s18 =	sadd.s32 s1, s18;
	s25 =	sadd.s32 $0x40, s17;
	s19 =	sshll.u32 s29, $0xA;
	(v2sf) =	vpush v56, $0xF  }
0x11b: {  	s19 =	sand.u32 $0x1FFFFC00, s19;
	s28 =	sshll.u32 s31, $0x6;
	s29 =	smul.u32 $0x7800, s31  }
0x11c: {  	[hbm:s17], [sflag:s12] =	dma.local [hbm:s21], $0x40  }
0x11d: {  	s17 =	sadd.s32 $0x440, s17;
	s21 =	sand.u32 $0x1FFFFFC0, s28;
	s19 =	sadd.s32 s4, s19  }
0x11e: {  	[hbm:s25], [sflag:s12] =	dma.local [hbm:s20], $0x400  }
0x11f: {  	[hbm:s17], [sflag:s12] =	dma.local [hbm:s23], $0xF00  }
0x120: {  	s20 =	sadd.s32 s5, s26;
	s17 =	rddreg [dreg:$0xf];
	s23 =	spop (v2sf)  }
0x121: {  	s25 =	sshrl.u32 s29, $0x3;
	s17 =	sadd.s32 s16, s17;
	s30 =	spop (v2sf);
	(v2sf) =	vpush v57, $0xF  }
0x122: {  	s21 =	sadd.s32 s1, s21;
	s23 =	sshll.u32 s23, $0xA;
	s31 =	sadd.s32 $0x40, s17;
	(v2sf) =	vpush v58, $0xF  }
0x123: {  	[hbm:s17], [sflag:s12] =	dma.local [hbm:s18], $0x40  }
0x124: {  	[hbm:s31], [sflag:s12] =	dma.local [hbm:s19], $0x400  }
0x125: {  	s26 =	sshll.u32 s30, $0x6;
	s17 =	sadd.s32 $0x440, s17;
	s19 =	sand.u32 $0x1FFFFC00, s23  }
0x126: {  	[hbm:s17], [sflag:s12] =	dma.local [hbm:s20], $0xF00  }
0x127: {  	s28 =	smul.u32 $0x7800, s30;
	s20 =	sand.u32 $0x1FFFFFC0, s26;
	s18 =	sadd.s32 s4, s19  }
0x128: {  	s19 =	sadd.s32 s5, s25;
	s17 =	rddreg [dreg:$0xe];
	s29 =	spop (v2sf)  }
0x129: {  	s25 =	sshrl.u32 s28, $0x3;
	s17 =	sadd.s32 s16, s17;
	s30 =	spop (v2sf);
	(v2sf) =	vpush v59, $0xF  }
0x12a: {  	s20 =	sadd.s32 s1, s20;
	s31 =	sadd.s32 $0x40, s17;
	(v2sf) =	vpush v60, $0xF;
	s26 =	sshll.u32 s30, $0x6  }
0x12b: {  	[hbm:s17], [sflag:s12] =	dma.local [hbm:s21], $0x40  }
0x12c: {  	s23 =	sshll.u32 s29, $0xA;
	s28 =	smul.u32 $0x7800, s30;
	s21 =	sand.u32 $0x1FFFFFC0, s26  }
0x12d: {  	[hbm:s31], [sflag:s12] =	dma.local [hbm:s18], $0x400  }
0x12e: {  	s17 =	sadd.s32 $0x440, s17;
	s26 =	sshrl.u32 s28, $0x3;
	s21 =	sadd.s32 s1, s21  }
0x12f: {  	[hbm:s17], [sflag:s12] =	dma.local [hbm:s19], $0xF00  }
0x130: {  	s19 =	sand.u32 $0x1FFFFC00, s23;
	s17 =	rddreg [dreg:$0xd];
	s29 =	spop (v2sf)  }
0x131: {  	s18 =	sadd.s32 s4, s19;
	s17 =	sadd.s32 s16, s17;
	s30 =	spop (v2sf);
	(v2sf) =	vpush v61, $0xF  }
0x132: {  	s19 =	sadd.s32 s5, s25;
	s23 =	sshll.u32 s29, $0xA;
	s31 =	sadd.s32 $0x40, s17;
	(v2sf) =	vpush v62, $0xF  }
0x133: {  	s25 =	sand.u32 $0x1FFFFC00, s23;
	s28 =	sshll.u32 s30, $0x6;
	s29 =	smul.u32 $0x7800, s30  }
0x134: {  	[hbm:s17], [sflag:s12] =	dma.local [hbm:s20], $0x40  }
0x135: {  	[hbm:s31], [sflag:s12] =	dma.local [hbm:s18], $0x400  }
0x136: {  	s17 =	sadd.s32 $0x440, s17;
	s20 =	sand.u32 $0x1FFFFFC0, s28;
	s18 =	sadd.s32 s4, s25  }
0x137: {  	[hbm:s17], [sflag:s12] =	dma.local [hbm:s19], $0xF00  }
0x138: {  	s22 =	sshrl.u32 s29, $0x3;
	s20 =	sadd.s32 s1, s20;
	s19 =	sadd.s32 s5, s26  }
0x139: {  	s22 =	sadd.s32 s5, s22;
	s17 =	rddreg [dreg:$0xc];
	s30 =	spop (v2sf)  }
0x13a: {  	s17 =	sadd.s32 s16, s17;
	s23 =	sshll.u32 s30, $0xA;
	s31 =	spop (v2sf);
	(v2sf) =	vpush v63, $0xF  }
0x13b: {  	s25 =	sadd.s32 $0x40, s17;
	(v2sf) =	vpush v3, $0xF;
	s26 =	sand.u32 $0x1FFFFC00, s23;
	s28 =	sshll.u32 s31, $0x6  }
0x13c: {  	[hbm:s17], [sflag:s12] =	dma.local [hbm:s21], $0x40  }
0x13d: {  	s29 =	smul.u32 $0x7800, s31;
	s17 =	sadd.s32 $0x440, s17;
	s21 =	sadd.s32 s4, s26  }
0x13e: {  	[hbm:s25], [sflag:s12] =	dma.local [hbm:s18], $0x400  }
0x13f: {  	[hbm:s17], [sflag:s12] =	dma.local [hbm:s19], $0xF00  }
0x140: {  	s18 =	sand.u32 $0x1FFFFFC0, s28;
	s19 =	rddreg [dreg:$0xb];
	s30 =	spop (v2sf)  }
0x141: {  	s19 =	sadd.s32 s16, s19;
	s24 =	sshll.u32 s30, $0xA;
	s17 =	spop (v2sf);
	(v2sf) =	vpush v1, $0xF  }
.Ltmp0:
0x142: {  	s31 =	sadd.s32 $0x40, s19;
	s26 =	sadd.s32 $0x440, s19;
	(v2sf) =	vpush v2, $0xF;
	(pc) =	sbr.rel @p0 .LBB2_2-.Ltmp0, $4  }
0x143: {  	[hbm:s19], [sflag:s12] =	dma.local [hbm:s20], $0x40  }
0x144: {  	[hbm:s31], [sflag:s12] =	dma.local [hbm:s21], $0x400  }
0x145: {  	[hbm:s26], [sflag:s12] =	dma.local [hbm:s22], $0xF00  }
0x146: {  	s20 =	sand.u32 $0x1FFFFC00, s24;
	s19 =	sshrl.u32 s29, $0x3;
	s21 =	rddreg [dreg:$0xa]  }
0x147: {  	s15 =	sadd.s32 s16, s21;
	s18 =	sadd.s32 s1, s18  }
0x148: {  	s20 =	sadd.s32 s4, s20;
	s19 =	sadd.s32 s5, s19;
	s28 =	sshll.u32 s17, $0x6  }
0x149: {  	s29 =	smul.u32 $0x7800, s17;
	s11 =	sadd.s32 $0x1, s11;
	s13 =	spop (v2sf)  }
0x14a: {  	s26 =	sadd.s32 $0x40, s15;
	p0 =	sne.s32 s11, s8;
	(v2sf) =	vpush v0, $0xF;
	s14 =	spop (v2sf)  }
0x14b: {  	[hbm:s15], [sflag:s12] =	dma.local [hbm:s18], $0x40  }
0x14c: {  	s17 =	sshrl.u32 s29, $0x3;
	s13 =	sshll.u32 s13, $0xA;
	s15 =	sadd.s32 $0x440, s15  }
0x14d: {  	s13 =	sand.u32 $0x1FFFFC00, s13;
	s22 =	sshll.u32 s14, $0x6;
	s14 =	smul.u32 $0x7800, s14  }
0x14e: {  	[hbm:s26], [sflag:s12] =	dma.local [hbm:s20], $0x400  }
0x14f: {  	[hbm:s15], [sflag:s12] =	dma.local [hbm:s19], $0xF00  }
0x150: {  	s17 =	sadd.s32 s5, s17;
	s13 =	sadd.s32 s4, s13;
	s15 =	sand.u32 $0x1FFFFFC0, s28  }
0x151: {  	s14 =	sshrl.u32 s14, $0x3;
	s30 =	rddreg [dreg:$0x9];
	s15 =	sadd.s32 s1, s15  }
0x152: {  	s14 =	sadd.s32 s5, s14;
	s18 =	sadd.s32 s16, s30;
	s19 =	spop (v2sf)  }
0x153: {  	s21 =	sadd.s32 $0x40, s18;
	s31 =	spop (v2sf);
	s24 =	sshll.u32 s19, $0xA  }
0x154: {  	[hbm:s18], [sflag:s12] =	dma.local [hbm:s15], $0x40  }
0x155: {  	s18 =	sadd.s32 $0x440, s18;
	s26 =	smul.u32 $0x7800, s31;
	s28 =	sshll.u32 s31, $0x6  }
0x156: {  	[hbm:s21], [sflag:s12] =	dma.local [hbm:s13], $0x400  }
0x157: {  	[hbm:s18], [sflag:s12] =	dma.local [hbm:s17], $0xF00  }
0x158: {  	s13 =	sand.u32 $0x1FFFFFC0, s22;
	s17 =	sand.u32 $0x1FFFFC00, s24;
	s23 =	rddreg [dreg:$0x8]  }
0x159: {  	s13 =	sadd.s32 s1, s13;
	s15 =	sadd.s32 s16, s23;
	s18 =	spop (v2sf)  }
0x15a: {  	[hbm:s15], [sflag:s12] =	dma.local [hbm:s13], $0x40  }
0x15b: {  	s17 =	sadd.s32 s4, s17;
	s25 =	sadd.s32 $0x40, s15;
	s15 =	sadd.s32 $0x440, s15  }
0x15c: {  	[hbm:s25], [sflag:s12] =	dma.local [hbm:s17], $0x400  }
0x15d: {  	[hbm:s15], [sflag:s12] =	dma.local [hbm:s14], $0xF00  }
0x15e: {  	s29 =	sshll.u32 s18, $0xA;
	s15 =	sand.u32 $0x1FFFFFC0, s28;
	s14 =	rddreg [dreg:$0x7]  }
0x15f: {  	s17 =	sand.u32 $0x1FFFFC00, s29;
	s15 =	sadd.s32 s1, s15;
	s14 =	sadd.s32 s16, s14  }
0x160: {  	[hbm:s14], [sflag:s12] =	dma.local [hbm:s15], $0x40  }
0x161: {  	s13 =	sshrl.u32 s26, $0x3;
	s30 =	sadd.s32 s4, s17;
	s31 =	sadd.s32 $0x40, s14  }
0x162: {  	[hbm:s31], [sflag:s12] =	dma.local [hbm:s30], $0x400  }
.Ltmp1:
0x163: {  	s13 =	sadd.s32 s5, s13;
	s14 =	sadd.s32 $0x440, s14;
	(pc) =	sbr.rel @p0 .LBB2_1-.Ltmp1, $4  }
0x164: {  	[hbm:s14], [sflag:s12] =	dma.local [hbm:s13], $0xF00  }
0x165: {  	_ =	swait.ge [sflag:s10], $0x9A000  }
0x166: {  	[sflag:s10] =	ssyncset.done $0x0  }
0x167: {  	[sflag:s10] =	ssyncadd.s32 $0xFFF66000  }
0x168: {  	_ =	sfence.sel $0x180000  }
0x169: {  	[bflag:$0x0] =	sbarrier.arrive $0xFFFF  }
0x16a: {  	p0 =	sne.s32 s2, $0x0;
	_ =	strace $0x90000047  }
0x16b: {  	s0 =	sadd.s32 @!p0 $0x100000, s0;
	[bflag:$0x2] =	sbarrier.arrive $0xFFFF  }
0x16c: {  	[sflag:s0] =	ssyncadd.tile.s32 @!p0 $0x1;
	_ =	shalt  }
.Lfunc_end2:
_tile_overlayer_lowered:
.L_overlay_start_2:
0x16d: {  	(tag) =	ssettag $0x2  }
0x16e: {  	s0 =	rddreg [dreg:$0x0];
	s2 =	stileid.u32  }
0x16f: {  	s1 =	rddreg [dreg:$0x1];
	p0 =	sne.s32 s2, $0x0  }
0x170: {  	s3 =	rddreg [dreg:$0x2];
	[bflag:$0x3] =	sbarrier.arrive $0xFFFF;
	s2 =	simm.s32 @!p0 $0x1C02  }
0x171: {  	[timem:s3], [sflag:s2] =	dma.local @!p0 [hbm:s0], s1  }
0x172: {  	s0 =	simm.s32 @!p0 $0x2  }
0x173: {  	_ =	swait.ge @!p0 [sflag:s0], s1  }
0x174: {  	s1 =	ssub.s32 @!p0 $0x0, s1;
	[sflag:s0] =	ssyncset.done @!p0 $0x0  }
0x175: {  	[sflag:s0] =	ssyncadd.s32 @!p0 s1  }
0x176: {  	[bflag:$0x3] =	sbarrier.arrive $0xFFFF  }
0x177: {  	_ =	shalt  }

// kernel: sparse-core-data-format-call.cloned.1.call-start
scs
called_computation_lowered:
.L_overlay_start_0:
0x0: {  	s2 =	sld [smem:$0x3FD9]  }
0x1: {  	s3 =	sld [smem:$0x3FFE];
	_ =	sdelay $0x1  }
0x2: {  	s1 =	srdreg.scid  }
0x3: {  	s0 =	sand.u32 $0x1, s1  }
0x4: {  	s18 =	sshll.u32 s0, $0xA;
	s2 =	sadd.s32 s3, s2  }
0x5: {  	s2 =	sadd.s32 s2, s18  }
0x6: {  	[smem:$0x3FC3] =	sst s2  }
0x7: {  	_ = 	snop  }
0x8: {  	s2 =	sld [smem:$0x3FD0];
	(tm) =	ssettm $0x1  }
0x9: {  	s19 =	sld [smem:$0x3FFB];
	_ =	sdelay $0x3  }
0xa: {  	_ =	strace s19  }
0xb: {  	s3 =	sld [smem:$0x3FFC];
	_ =	sdelay $0x3  }
0xc: {  	_ =	strace s3  }
0xd: {  	s3 =	sld [smem:$0x3FFD];
	_ =	sdelay $0x3  }
0xe: {  	_ =	strace s3  }
0xf: {  	_ =	strace $0x8FFFFFFF  }
0x10: {  	s20 =	sld [smem:$0x3FDB];
	_ =	sdelay $0x1  }
0x11: {  	s4 =	simm.s32 $_scs_section_size  }
0x12: {  	s5 =	simm.s32 $_size__tile_overlayer_lowered;
	s6 =	simm.s32 $_tile_overlayer_lowered  }
0x13: {  	s23 =	simm.s32 $0x1BFF;
	s22 =	sshll.u32 s6, $0x1;
	s3 =	sadd.s32 s4, s20  }
0x14: {  	s7 =	simm.s32 $0x0;
	s21 =	sshll.u32 s5, $0x1;
	s5 =	sadd.s32 s22, s3  }
0x15: {  	[timem:s7], [sflag:s23] =	dma.local [hbm:s5], s21  }
0x16: {  	_ =	swait.ge [sflag:s23], s21  }
0x17: {  	s4 =	ssub.s32 $0x0, s21;
	[sflag:s23] =	ssyncset.done $0x0  }
0x18: {  	[sflag:s23] =	ssyncadd.s32 s4;
	_ =	sdelay $0x1  }
0x19: {  	s24 =	simm.s32 $0x1B8B  }
0x1a: {  	_ =	swait.ge [sflag:s24], $0x1  }
0x1b: {  	[sflag:s24] =	ssyncset.done $0x0  }
0x1c: {  	s26 =	simm.s32 $0x1B8E;
	s25 =	sld [smem:$0x3FFE];
	[sflag:s24] =	ssyncadd.s32 $0xFFFFFFFF  }
0x1d: {  	s27 =	simm.s32 $execute0_lowered;
	[smem:$0x3FD2] =	sst s26  }
0x1e: {  	s5 =	sshll.u32 s27, $0x1;
	_ =	strace $0x80000049;
	[dreg:$0x1] =	wrdreg $0xFFFFFFFF  }
0x1f: {  	s28 =	simm.s32 $_size_execute0_lowered;
	s3 =	sadd.s32 s3, s5;
	[dreg:$0x0] =	wrdreg $0x0  }
0x20: {  	s5 =	sshll.u32 s28, $0x1;
	[dreg:$0x2] =	wrdreg s3  }
0x21: {  	[dreg:$0x3] =	wrdreg s5  }
0x22: {  	[dreg:$0x4] =	wrdreg $0xC0  }
0x23: {  	_ =	task [dreg:s7], $0x5FFFF  }
0x24: {  	[dreg:$0x1] =	wrdreg $0xFFFFFFFF  }
0x25: {  	[dreg:$0x0] =	wrdreg $0x60  }
0x26: {  	[dreg:$0x2] =	wrdreg s25  }
0x27: {  	[dreg:$0x3] =	wrdreg s2  }
0x28: {  	[dreg:$0x4] =	wrdreg $0x9  }
0x29: {  	_ =	task.clear_ibuf [dreg:s7], $0x5FFFF;
	_ =	strace $0x90000049  }
0x2a: {  	s29 =	simm.s32 $0x9;
	_ =	strace $0x8000004B  }
0x2b: {  	_ =	swait.ge [sflag:s29], $0x1  }
0x2c: {  	[sflag:s29] =	ssyncadd.s32 $0xFFFFFFFF  }
0x2d: {  	_ =	strace $0x9000004B  }
0x2e: {  	_ =	sfence  }
0x2f: {  	s30 =	sld [smem:$0x0];
	_ =	sdelay $0x2  }
0x30: {  	s31 =	sshll.u32 s1, $0xD;
	s1 =	sshrl.u32 s1, $0x2  }
0x31: {  	s3 =	sand.u32 $0x4000, s31;
	s1 =	sadd.s32 s1, s30  }
0x32: {  	s0 =	sor.u32 s3, s0;
	s1 =	sshll.u32 s1, $0x11  }
0x33: {  	s0 =	sor.u32 s1, s0  }
0x34: {  	s0 =	sadd.s32 $0x8F2B, s0  }
0x35: {  	[sflag:s0] =	ssyncadd.remote.s32 $0x1  }
0x36: {  	_ =	sfence.sel $0xFFFF  }
0x37: {  	[dreg:$0x0] =	wrdreg $0xFFFFFFFF;
	(pc) =	sbr.abs _section_cstart, $3  }
0x38: {  	[dreg:$0x1] =	wrdreg $0xFFFFFFFF  }
0x39: {  	_ =	task.clear_ibuf [dreg:s7], $0x2FFFF;
	_ =	strace $0x9FFFFFFF  }
0x3a: {  	(tm) =	ssettm $0x7FFFFFFF  }
0x3b: {  	_ =	shalt  }
tec
execute0_lowered:
.L_overlay_start_1:
0x0: {  	(tag) =	ssettag $0x1  }
0x1: {  	s0 =	srdreg.scid  }
0x2: {  	s1 =	sshll.u32 s0, $0x4  }
0x3: {  	s6 =	rddreg [dreg:$0x0];
	s0 =	stileid.u32;
	s1 =	sand.u32 $0x10, s1  }
0x4: {  	s3 =	rddreg [dreg:$0x1];
	s1 =	sor.u32 s0, s1  }
0x5: {  	s5 =	simm.s32 $0x1;
	s31 =	simm.s32 $0x2;
	s2 =	sshll.u32 s1, $0x7  }
0x6: {  	s14 =	simm.s32 $0x0;
	s8 =	simm.s32 $0x1000;
	s4 =	ssub.s32 $0x1000, s2  }
0x7: {  	s9 =	simm.s32 $0x0;
	s15 =	simm.s32 $0x0;
	s30 =	sand.u32 $0xF80, s4  }
0x8: {  	s16 =	simm.s32 $0x0;
	s10 =	simm.s32 $0x0;
	p0 =	sne.s32 s30, $0x0  }
.Ltmp0:
0x9: {  	s7 =	sshrl.u32 s4, $0xC;
	s5 =	simm.s32 @!p0 $0x0;
	(pc) =	sbr.rel .LBB1_1-.Ltmp0, $4  }
0xa: {  	s11 =	simm.s32 $0x0;
	s1 =	rddreg [dreg:$0x2];
	s5 =	sadd.s32 s5, s7  }
0xb: {  	_ =	strace $0x8000004A;
	s4 =	simm.s32 $0x1;
	s5 =	smul.u32 $0x134, s5  }
0xc: {  	s13 =	simm.s32 $0x0;
	s6 =	sadd.s32 $0x800, s6;
	[sflag:s4] =	ssyncpa.u1 $0x0  }
0xd: {  	s12 =	smov.u32 s2;
	[sflag:s31] =	ssyncpa.u1 $0x0;
	s7 =	sor.u32 $0x1, s5  }
.LBB1_4:
0xe: {  	_ =	sdelay $0x3  }
0xf: {  	[tilespmem:v0+s19+$0xFFFFFFD0 ss:$0x1] =	vst.idx.msk $0xffff, v6  }
0x10: {  	v56 =	vld.idx.msk [tilespmem:v1+s18+$0x0 ss:$0x1], $0xffff;
	[tilespmem:v0+s19+$0xFFFFFFE0 ss:$0x1] =	vst.idx.msk $0xffff, v4  }
0x11: {  	v57 =	vld.idx.msk [tilespmem:v1+s18+$0xFFFFFF90 ss:$0x1], $0xffff;
	[tilespmem:v0+s19+$0xFFFFFFF0 ss:$0x1] =	vst.idx.msk $0xffff, v2  }
0x12: {  	v58 =	vld.idx.msk [tilespmem:v1+s18+$0xFFFFFFA0 ss:$0x1], $0xffff;
	[tilespmem:v0+s19+$0x0 ss:$0x1] =	vst.idx.msk $0xffff, v3  }
0x13: {  	v59 =	vld.idx.msk [tilespmem:v1+s18+$0xFFFFFFB0 ss:$0x1], $0xffff;
	[tilespmem:v0+s19+$0x10 ss:$0x1] =	vst.idx.msk $0xffff, v5  }
0x14: {  	v60 =	vld.idx.msk [tilespmem:v1+s18+$0xFFFFFFC0 ss:$0x1], $0xffff;
	[tilespmem:v0+s19+$0x20 ss:$0x1] =	vst.idx.msk $0xffff, v7  }
0x15: {  	v61 =	vld.idx.msk [tilespmem:v1+s18+$0xFFFFFFD0 ss:$0x1], $0xffff;
	s27 =	sshll.u32 s16, $0x9;
	[tilespmem:v0+s18+$0x30 ss:$0x1] =	vst.idx.msk $0xffff, v56  }
0x16: {  	s20 =	sshll.u32 s14, $0x3;
	v62 =	vld.idx.msk [tilespmem:v1+s18+$0xFFFFFFE0 ss:$0x1], $0xffff;
	s28 =	sshll.u32 s16, $0x7;
	s30 =	sand.u32 $0x78, s14;
	[tilespmem:v0+s18+$0xFFFFFFC0 ss:$0x1] =	vst.idx.msk $0xffff, v57  }
0x17: {  	v63 =	vld.idx.msk [tilespmem:v1+s18+$0xFFFFFFF0 ss:$0x1], $0xffff;
	s15 =	sshll.u32 s15, $0x12;
	s19 =	sand.u32 $0x1FF000, s27;
	s20 =	sand.u32 $0x1FFC00, s20;
	[tilespmem:v0+s18+$0xFFFFFFD0 ss:$0x1] =	vst.idx.msk $0xffff, v58  }
0x18: {  	s29 =	sand.u32 $0x200, s28;
	s16 =	sand.u32 $0x180, s28;
	s19 =	sadd.s32 s19, s20;
	[tilespmem:v0+s18+$0xFFFFFFE0 ss:$0x1] =	vst.idx.msk $0xffff, v59  }
0x19: {  	s31 =	sand.u32 $0x7, s14;
	s16 =	sor.u32 s16, s30;
	s19 =	sor.u32 s29, s19;
	[tilespmem:v0+s18+$0xFFFFFFF0 ss:$0x1] =	vst.idx.msk $0xffff, v60  }
0x1a: {  	s15 =	sadd.s32 s3, s15;
	s16 =	sshrl.u32 s16, $0x3;
	s19 =	sshrl.u32 s19, $0x3;
	[tilespmem:v0+s18+$0x0 ss:$0x1] =	vst.idx.msk $0xffff, v61  }
0x1b: {  	s14 =	sshll.u32 s31, $0x12;
	s15 =	sadd.s32 s16, s15;
	[tilespmem:v0+s18+$0x10 ss:$0x1] =	vst.idx.msk $0xffff, v62;
	s19 =	sand.u32 $0x3FFC0, s19  }
0x1c: {  	s14 =	sor.u32 $0x400, s14;
	[tilespmem:v0+s18+$0x20 ss:$0x1] =	vst.idx.msk $0xffff, v63;
	s15 =	sadd.s32 s19, s15  }
0x1d: {  	[hbm4b:s15+s14] =	stream.strided.scatter [tilespmem:s17], [sflag:$0x2], $0x4000, s8, s14, $0x38;
	[tilespmem:$0x10000] =	vst v63  }
.LBB1_5:
0x1e: {  	s17 =	sadd.s32 $0x80, s10  }
0x1f: {  	s14 =	simm.s32 $0x1;
	p1 =	sgt.s32 s17, $0x1FF  }
0x20: {  	s14 =	simm.s32 @!p1 $0x0  }
0x21: {  	s18 =	sadd.s32 s14, s11  }
0x22: {  	s20 =	smov.u32 s12;
	s14 =	sadd.s32 $0x1000, s12;
	p2 =	sgt.s32 s18, $0x4C  }
0x23: {  	s20 =	smov.u32 @p2 s14  }
0x24: {  	p0 =	slt.u32 s13, $0x2;
	s17 =	simm.s32 @p1 $0x0;
	p1 =	sgt.s32 s20, $0xFFF  }
0x25: {  	s19 =	simm.s32 @!p0 $0x2;
	s20 =	smov.u32 @p1 s2;
	p1 =	sne.s32 s13, s7  }
.Ltmp1:
0x26: {  	_ =	swait.ge @!p0 [sflag:s19], $0x4000;
	(pc) =	sbr.rel @!p1 .LBB1_6-.Ltmp1, $4  }
0x27: {  	s15 =	smov.u32 s11;
	[sflag:s19] =	ssyncset.done @!p0 $0x0  }
0x28: {  	s16 =	smov.u32 s12;
	s9 =	sadd.s32 $0x4000, s9;
	[sflag:s19] =	ssyncadd.s32 @!p0 $0xFFFFC000  }
0x29: {  	s18 =	simm.s32 @p2 $0x0;
	s14 =	smov.u32 s10;
	s10 =	smov.u32 s17  }
0x2a: {  	s11 =	smov.u32 s18;
	s13 =	sadd.s32 $0x1, s13;
	s12 =	smov.u32 s20  }
.LBB1_1:
0x2b: {  	p0 =	sge.u32 s13, s5  }
0x2c: {  	s17 =	sshll.u32 @!p0 s11, $0x9;
	s18 =	sshll.u32 @!p0 s10, $0x3  }
0x2d: {  	s19 =	sshll.u32 @!p0 s11, $0x7;
	s17 =	sand.u32 @!p0 $0xFFFFF000, s17;
	s18 =	sand.u32 @!p0 $0xFFFFFC00, s18  }
0x2e: {  	s17 =	sadd.s32 @!p0 s17, s18;
	s18 =	sand.u32 @!p0 $0x200, s19  }
0x2f: {  	s17 =	sor.u32 @!p0 s18, s17  }
0x30: {  	s17 =	sshrl.u32 @!p0 s17, $0x9  }
0x31: {  	s31 =	sadd.s32 $0xFFFFFFFF, s13;
	s18 =	smulhi.u32 @!p0 $0x3333334, s17  }
0x32: {  	s20 =	sxor.u32 @!p0 $0xFFFFFFFF, s13;
	s21 =	sand.u32 @!p0 $0x78, s10;
	s22 =	smul.u32 @!p0 $0x1400, s12  }
0x33: {  	s20 =	sshll.u32 @!p0 s20, $0xE;
	s19 =	sand.u32 @!p0 $0x180, s19;
	s18 =	smul.u32 @!p0 $0x50, s18  }
0x34: {  	s20 =	sand.u32 @!p0 $0x4000, s20;
	s19 =	sor.u32 @!p0 s21, s19;
	s21 =	sand.u32 @!p0 $0x7, s10  }
0x35: {  	s17 =	ssub.s32 @!p0 s17, s18;
	s18 =	sshrl.u32 @!p0 s19, $0x3;
	s19 =	sadd.s32 @!p0 s6, s22  }
0x36: {  	s17 =	sshll.u32 @!p0 s17, $0x6;
	s18 =	sadd.s32 @!p0 s18, s19;
	s19 =	sshll.u32 @!p0 s21, $0x12  }
0x37: {  	s17 =	sadd.s32 @!p0 s17, s18;
	s18 =	sor.u32 @!p0 $0x80, s19;
	s19 =	simm.s32 @!p0 $0xA000  }
0x38: {  	[tilespmem:s20], [sflag:$0x1] =	stream.strided.gather @!p0 [hbm4b:s17+s18], $0x4000, s19, s18, $0x38;
	[tilespmem:$0x10000] =	vst v63  }
0x39: {  	p0 =	sge.u32 s31, s5  }
.Ltmp2:
0x3a: {  	_ = 	snop;
	(pc) =	sbr.rel @p0 .LBB1_5-.Ltmp2, $1  }
0x3b: {  	_ =	sdelay $0x3  }
0x3c: {  	s17 =	sand.u32 $0x4000, s9  }
0x3d: {  	s18 =	sor.u32 $0x70, s17  }
0x3e: {  	v1 =	vmov s18;
	_ =	sdelay $0x1  }
0x3f: {  	_ =	swait.ge [sflag:s4], $0x4000  }
0x40: {  	[sflag:s4] =	ssyncset.done $0x0  }
0x41: {  	s19 =	simm.s32 $0x0;
	[sflag:s4] =	ssyncadd.s32 $0xFFFFC000  }
0x42: {  	s17 =	sor.u32 $0x8040, s17;
	v7 =	vld.idx.msk [tilespmem:v1+s19+$0x0 ss:$0x1], $0xffff  }
0x43: {  	v0 =	vmov s17;
	v8 =	vld.idx.msk [tilespmem:v1+s19+$0xFFFFFF90 ss:$0x1], $0xffff  }
0x44: {  	v6 =	vld.idx.msk [tilespmem:v1+s19+$0xFFFFFFA0 ss:$0x1], $0xffff  }
0x45: {  	v4 =	vld.idx.msk [tilespmem:v1+s19+$0xFFFFFFB0 ss:$0x1], $0xffff  }
0x46: {  	v2 =	vld.idx.msk [tilespmem:v1+s19+$0xFFFFFFC0 ss:$0x1], $0xffff  }
0x47: {  	s31 =	sshll.u32 s13, $0xE;
	v3 =	vld.idx.msk [tilespmem:v1+s19+$0xFFFFFFD0 ss:$0x1], $0xffff  }
0x48: {  	s17 =	sand.u32 $0x4000, s31;
	v5 =	vld.idx.msk [tilespmem:v1+s19+$0xFFFFFFE0 ss:$0x1], $0xffff;
	[tilespmem:v0+s19+$0x30 ss:$0x1] =	vst.idx.msk $0xffff, v7  }
0x49: {  	s20 =	simm.s32 $0x400;
	s18 =	simm.s32 $0x80;
	s17 =	sor.u32 $0x8000, s17;
	[tilespmem:v0+s19+$0xFFFFFFC0 ss:$0x1] =	vst.idx.msk $0xffff, v8;
	v7 =	vld.idx.msk [tilespmem:v1+s19+$0xFFFFFFF0 ss:$0x1], $0xffff  }
.LBB1_3:
0x4a: {  	p0 =	sne.s32 s20, $0xFE00;
	v8 =	vld.idx.msk [tilespmem:v1+s18+$0x0 ss:$0x1], $0xffff;
	[tilespmem:v0+s19+$0xFFFFFFD0 ss:$0x1] =	vst.idx.msk $0xffff, v6  }
0x4b: {  	v9 =	vld.idx.msk [tilespmem:v1+s18+$0xFFFFFF90 ss:$0x1], $0xffff;
	[tilespmem:v0+s19+$0xFFFFFFE0 ss:$0x1] =	vst.idx.msk $0xffff, v4  }
0x4c: {  	v6 =	vld.idx.msk [tilespmem:v1+s18+$0xFFFFFFA0 ss:$0x1], $0xffff;
	[tilespmem:v0+s19+$0xFFFFFFF0 ss:$0x1] =	vst.idx.msk $0xffff, v2  }
.Ltmp3:
0x4d: {  	v4 =	vld.idx.msk [tilespmem:v1+s18+$0xFFFFFFB0 ss:$0x1], $0xffff;
	[tilespmem:v0+s19+$0x0 ss:$0x1] =	vst.idx.msk $0xffff, v3;
	(pc) =	sbr.rel @p0 .LBB1_3-.Ltmp3, $4  }
0x4e: {  	v2 =	vld.idx.msk [tilespmem:v1+s18+$0xFFFFFFC0 ss:$0x1], $0xffff;
	[tilespmem:v0+s19+$0x10 ss:$0x1] =	vst.idx.msk $0xffff, v5  }
0x4f: {  	v3 =	vld.idx.msk [tilespmem:v1+s18+$0xFFFFFFD0 ss:$0x1], $0xffff;
	[tilespmem:v0+s19+$0x20 ss:$0x1] =	vst.idx.msk $0xffff, v7;
	s19 =	smov.u32 s18  }
0x50: {  	v5 =	vld.idx.msk [tilespmem:v1+s19+$0xFFFFFFE0 ss:$0x1], $0xffff;
	[tilespmem:v0+s19+$0x30 ss:$0x1] =	vst.idx.msk $0xffff, v8  }
0x51: {  	s18 =	sshra.s32 s20, $0x2;
	s20 =	sadd.s32 $0x200, s20;
	[tilespmem:v0+s19+$0xFFFFFFC0 ss:$0x1] =	vst.idx.msk $0xffff, v9;
	v7 =	vld.idx.msk [tilespmem:v1+s19+$0xFFFFFFF0 ss:$0x1], $0xffff  }
.Ltmp4:
0x52: {  	_ = 	snop;
	(pc) =	sbr.rel .LBB1_4-.Ltmp4, $1  }
0x53: {  	_ =	sdelay $0x3  }
.LBB1_6:
0x54: {  	_ =	sfence.sel $0x180000  }
0x55: {  	s2 =	simm.s32 $0x1;
	[bflag:$0x0] =	sbarrier.arrive $0xFFFF  }
0x56: {  	s31 =	simm.s32 $0x2;
	[sflag:s2] =	ssyncpa.u1 $0x1  }
0x57: {  	[sflag:s31] =	ssyncpa.u1 $0x1  }
0x58: {  	p0 =	sne.s32 s0, $0x0;
	_ =	strace $0x9000004A  }
0x59: {  	s0 =	sadd.s32 @!p0 $0x100000, s1;
	[bflag:$0x2] =	sbarrier.arrive $0xFFFF  }
0x5a: {  	[sflag:s0] =	ssyncadd.tile.s32 @!p0 $0x1;
	_ =	shalt  }
.Lfunc_end1:
_tile_overlayer_lowered:
.L_overlay_start_2:
0x5b: {  	(tag) =	ssettag $0x2  }
0x5c: {  	s0 =	rddreg [dreg:$0x0];
	s2 =	stileid.u32  }
0x5d: {  	s1 =	rddreg [dreg:$0x1];
	p0 =	sne.s32 s2, $0x0  }
0x5e: {  	s3 =	rddreg [dreg:$0x2];
	[bflag:$0x3] =	sbarrier.arrive $0xFFFF;
	s2 =	simm.s32 @!p0 $0x1C01  }
0x5f: {  	[timem:s3], [sflag:s2] =	dma.local @!p0 [hbm:s0], s1  }
0x60: {  	s0 =	simm.s32 @!p0 $0x1  }
0x61: {  	_ =	swait.ge @!p0 [sflag:s0], s1  }
0x62: {  	s1 =	ssub.s32 @!p0 $0x0, s1;
	[sflag:s0] =	ssyncset.done @!p0 $0x0  }
0x63: {  	[sflag:s0] =	ssyncadd.s32 @!p0 s1  }
0x64: {  	[bflag:$0x3] =	sbarrier.arrive $0xFFFF  }
0x65: {  	_ =	shalt  }

</sc_bundles>
